<compile_context>
chip_gen: v7x
topology: tpu7x:2x2x1
jax: 0.10.2.dev20260603
libtpu: 0.0.44.dev20260713+nightly
codegen_flags: <defaults>
</compile_context>

<pallas_src>
import jax
import jax.numpy as jnp
from jax import lax
from jax.experimental import pallas as pl
from jax.experimental.pallas import tpu as pltpu
from jax.experimental.pallas import tpu_sc as plsc

NC = 2
NS = 16
NW = NC * NS
D = 128
CHUNK = 128
L = 16
NBUF = 5
GDEPTH = 2


def _sc_embed(ids3, mask3, table):
    K = ids3.shape[1]
    assert K % NBUF == 0
    mesh = plsc.VectorSubcoreMesh(core_axis_name="c", subcore_axis_name="s")

    @pl.kernel(
        out_type=jax.ShapeDtypeStruct((NW, K, CHUNK, D), jnp.float32),
        mesh=mesh,
        scratch_types=[
            pltpu.VMEM((K, CHUNK), jnp.int32),
            pltpu.VMEM((K, CHUNK), jnp.float32),
        ]
        + [pltpu.VMEM((CHUNK, D), jnp.float32) for _ in range(NBUF)]
        + [pltpu.SemaphoreType.DMA for _ in range(2 * NBUF + 2)],
        compiler_params=pltpu.CompilerParams(needs_layout_passes=False),
    )
    def k(ids_hbm, mask_hbm, table_hbm, out_hbm, idx_v, msk_v, *bufs_sems):
        bufs = bufs_sems[:NBUF]
        gsems = bufs_sems[NBUF:2 * NBUF]
        wsems = bufs_sems[2 * NBUF:3 * NBUF]
        msem = bufs_sems[3 * NBUF]
        isem = bufs_sems[3 * NBUF + 1]
        wid = lax.axis_index("s") * NC + lax.axis_index("c")
        pltpu.sync_copy(ids_hbm.at[wid, pl.ds(0, 8)],
                        idx_v.at[pl.ds(0, 8)])
        pltpu.async_copy(ids_hbm.at[wid, pl.ds(8, K - 8)],
                         idx_v.at[pl.ds(8, K - 8)], isem)
        pltpu.async_copy(mask_hbm.at[wid], msk_v, msem)

        def gather(j, b):
            pltpu.async_copy(table_hbm.at[idx_v.at[j]], bufs[b], gsems[b])

        def wait_gather(j, b):
            pltpu.make_async_copy(
                table_hbm.at[idx_v.at[j]], bufs[b], gsems[b]).wait()

        def write(j, b):
            pltpu.async_copy(bufs[b], out_hbm.at[wid, j], wsems[b])

        def wait_write(j, b):
            pltpu.make_async_copy(
                bufs[b], out_hbm.at[wid, j], wsems[b]).wait()

        def fixup(j, buf):
            def per_group(g, _):
                iv = idx_v[j, pl.ds(g * L, L)]
                mv = msk_v[j, pl.ds(g * L, L)]
                sv = jnp.where(iv == 0, 0.0, mv)
                needs = jnp.any(sv != 1.0)

                @pl.when(needs)
                def _():
                    lanes = lax.iota(jnp.int32, L)

                    def per_lane(l, _):
                        s_s = jnp.sum(jnp.where(lanes == l, sv, 0.0))

                        @pl.when(s_s != 1.0)
                        def _():
                            p = g * L + l
                            for h in range(D // L):
                                sl = pl.ds(h * L, L)
                                buf[p, sl] = buf[p, sl] * s_s
                        return 0

                    lax.fori_loop(0, L, per_lane, 0)
                return 0

            lax.fori_loop(0, CHUNK // L, per_group, 0)

        for j in range(GDEPTH):
            gather(j, j)
        pltpu.make_async_copy(ids_hbm.at[wid, pl.ds(8, K - 8)],
                              idx_v.at[pl.ds(8, K - 8)], isem).wait()
        pltpu.make_async_copy(mask_hbm.at[wid], msk_v, msem).wait()

        def step(it, _):
            for b in range(NBUF):
                j = it * NBUF + b
                bg = (b + GDEPTH) % NBUF

                @pl.when(jnp.logical_and(j >= NBUF - GDEPTH, j + GDEPTH < K))
                def _():
                    wait_write(j + GDEPTH - NBUF, bg)

                @pl.when(j + GDEPTH < K)
                def _():
                    gather(j + GDEPTH, bg)

                wait_gather(j, b)
                fixup(j, bufs[b])
                write(j, b)
            return 0

        lax.fori_loop(0, K // NBUF, step, 0)

        for j in range(K - NBUF, K):
            wait_write(j, j % NBUF)

    return k(ids3, mask3, table)


def kernel(input_ids, attention_mask, table):
    B, S = input_ids.shape
    n = B * S
    K = n // (NW * CHUNK)
    ids3 = input_ids.reshape(NW, K, CHUNK)
    mask3 = attention_mask.astype(jnp.float32).reshape(NW, K, CHUNK)
    out = _sc_embed(ids3, mask3, table)
    return out.reshape(B, S, D)

# --- scband reference (transcript-rebuilt; emitter-appended) ---
"""Pipeline reference for scband-base-neural-model-7017976562234 (READ-ONLY COPY).

The authoritative reference and input builder live on the scoring server;
editing this copy changes nothing except your own understanding.
"""

import jax, jax.numpy as jnp
import numpy as np

VOCAB = 100000
EMBED_DIM = 128
BATCH = 1024
SEQ_LEN = 200
PADDING_IDX = 0


def setup_inputs(seed: int = 0) -> dict:
    key = jax.random.key(seed)
    k1, k2 = jax.random.split(key)
    input_ids = jax.random.randint(k1, (BATCH, SEQ_LEN), 0, VOCAB, dtype=jnp.int64 if jax.config.jax_enable_x64 else jnp.int32).astype(jnp.int32)
    attention_mask = jnp.ones((BATCH, SEQ_LEN), dtype=jnp.float32)
    table = jax.random.normal(k2, (VOCAB, EMBED_DIM), dtype=jnp.float32)
    return {"input_ids": input_ids, "attention_mask": attention_mask, "table": table}


def reference(input_ids, attention_mask, table):
    # nn.Embedding with padding_idx=0: row 0 maps to zeros
    tbl = table.at[PADDING_IDX].set(0.0)
    # embedding gather [B, L] -> [B, L, D]
    emb = jnp.take(tbl, input_ids, axis=0)
    # dropout_layer: identity in eval mode
    # apply_attention_mask: zero out padded positions
    mask_expanded = attention_mask[..., None].astype(jnp.float32)
    emb = emb * mask_expanded
    return emb

if __name__ == "__main__":
    import jax
    _d = setup_inputs()
    print(jax.jit(kernel)(*tuple(_d.values())))

</pallas_src>

<mosaic_0001>
#map = affine_map<(d0, d1) -> (0, 0, 0)>
#map1 = affine_map<(d0, d1) -> (0, 0)>
#map2 = affine_map<(d0, d1) -> (0, 0, 0, 0)>
module attributes {stable_mosaic.version = 14 : i64} {
  func.func @k(%arg0: i32, %arg1: i32, %arg2: memref<32x50x128xi32, #tpu.memory_space<hbm>>, %arg3: memref<32x50x128xf32, #tpu.memory_space<hbm>>, %arg4: memref<100000x128xf32, #tpu.memory_space<hbm>>, %arg5: memref<32x50x128x128xf32, #tpu.memory_space<hbm>>, %arg6: memref<50x128xi32, #tpu.memory_space<vmem>>, %arg7: memref<50x128xf32, #tpu.memory_space<vmem>>, %arg8: memref<128x128xf32, #tpu.memory_space<vmem>>, %arg9: memref<128x128xf32, #tpu.memory_space<vmem>>, %arg10: memref<128x128xf32, #tpu.memory_space<vmem>>, %arg11: memref<128x128xf32, #tpu.memory_space<vmem>>, %arg12: memref<128x128xf32, #tpu.memory_space<vmem>>, %arg13: memref<!tpu.dma_semaphore, #tpu.memory_space<semaphore_mem>>, %arg14: memref<!tpu.dma_semaphore, #tpu.memory_space<semaphore_mem>>, %arg15: memref<!tpu.dma_semaphore, #tpu.memory_space<semaphore_mem>>, %arg16: memref<!tpu.dma_semaphore, #tpu.memory_space<semaphore_mem>>, %arg17: memref<!tpu.dma_semaphore, #tpu.memory_space<semaphore_mem>>, %arg18: memref<!tpu.dma_semaphore, #tpu.memory_space<semaphore_mem>>, %arg19: memref<!tpu.dma_semaphore, #tpu.memory_space<semaphore_mem>>, %arg20: memref<!tpu.dma_semaphore, #tpu.memory_space<semaphore_mem>>, %arg21: memref<!tpu.dma_semaphore, #tpu.memory_space<semaphore_mem>>, %arg22: memref<!tpu.dma_semaphore, #tpu.memory_space<semaphore_mem>>, %arg23: memref<!tpu.dma_semaphore, #tpu.memory_space<semaphore_mem>>, %arg24: memref<!tpu.dma_semaphore, #tpu.memory_space<semaphore_mem>>) attributes {dimension_semantics = [#tpu.dimension_semantics<core_parallel>, #tpu.dimension_semantics<subcore_parallel>], iteration_bounds = array<i64: 2, 16>, scalar_prefetch = 0 : i64, scratch_operands = 19 : i64, tpu.core_type = #tpu.core_type<sc_vector_subcore>, window_params = [{transform_indices = #map}, {transform_indices = #map}, {transform_indices = #map1}, {transform_indices = #map2}]} {
    %mul3A = arith.constant 2 : i32
    %mul3A_0 = arith.muli %arg1, %mul3A : i32
    %add3A = arith.addi %mul3A_0, %arg0 : i32
    "tpu.region"() ({
      %run_scoped3A = tpu.sem_alloc : memref<!tpu.dma_semaphore, #tpu.memory_space<semaphore_mem>>
      %dma_start3A_108 = arith.constant 0 : i32
      %dma_start3A_109 = arith.constant 0 : i32
      %dma_start3A_110 = tpu.memref_slice %arg6[%dma_start3A_108, %dma_start3A_109] : memref<50x128xi32, #tpu.memory_space<vmem>> -> memref<8x128xi32, #tpu.memory_space<vmem>>
      %dma_start3A_111 = arith.constant 0 : i32
      %dma_start3A_112 = arith.constant 0 : i32
      %dma_start3A_113 = tpu.memref_slice %arg2[%add3A, %dma_start3A_111, %dma_start3A_112] : memref<32x50x128xi32, #tpu.memory_space<hbm>> -> memref<1x8x128xi32, #tpu.memory_space<hbm>>
      %dma_start3A_114 = tpu.memref_squeeze %dma_start3A_113 : memref<1x8x128xi32, #tpu.memory_space<hbm>> -> memref<8x128xi32, #tpu.memory_space<hbm>>
      %dma_start3A_115 = arith.constant 0 : i32
      %dma_start3A_116 = arith.constant 0 : i32
      %dma_start3A_117 = tpu.memref_slice %arg6[%dma_start3A_115, %dma_start3A_116] : memref<50x128xi32, #tpu.memory_space<vmem>> -> memref<8x128xi32, #tpu.memory_space<vmem>>
      %dma_start3A_118 = arith.constant 0 : i32
      %dma_start3A_119 = arith.constant 0 : i32
      %dma_start3A_120 = tpu.memref_slice %arg2[%add3A, %dma_start3A_118, %dma_start3A_119] : memref<32x50x128xi32, #tpu.memory_space<hbm>> -> memref<1x8x128xi32, #tpu.memory_space<hbm>>
      %dma_start3A_121 = tpu.memref_squeeze %dma_start3A_120 : memref<1x8x128xi32, #tpu.memory_space<hbm>> -> memref<8x128xi32, #tpu.memory_space<hbm>>
      tpu.enqueue_dma source(%dma_start3A_121 : memref<8x128xi32, #tpu.memory_space<hbm>>) target(%dma_start3A_117 : memref<8x128xi32, #tpu.memory_space<vmem>>) target_semaphore(%run_scoped3A : memref<!tpu.dma_semaphore, #tpu.memory_space<semaphore_mem>>)
      %dma_wait3A_122 = arith.constant 0 : i32
      %dma_wait3A_123 = arith.constant 0 : i32
      %dma_wait3A_124 = tpu.memref_slice %arg6[%dma_wait3A_122, %dma_wait3A_123] : memref<50x128xi32, #tpu.memory_space<vmem>> -> memref<8x128xi32, #tpu.memory_space<vmem>>
      %dma_wait3A_125 = arith.constant 0 : i32
      %dma_wait3A_126 = arith.constant 0 : i32
      %dma_wait3A_127 = tpu.memref_slice %arg2[%add3A, %dma_wait3A_125, %dma_wait3A_126] : memref<32x50x128xi32, #tpu.memory_space<hbm>> -> memref<1x8x128xi32, #tpu.memory_space<hbm>>
      %dma_wait3A_128 = tpu.memref_squeeze %dma_wait3A_127 : memref<1x8x128xi32, #tpu.memory_space<hbm>> -> memref<8x128xi32, #tpu.memory_space<hbm>>
      %dma_wait3A_129 = arith.constant 0 : i32
      %dma_wait3A_130 = arith.constant 0 : i32
      %dma_wait3A_131 = tpu.memref_slice %arg6[%dma_wait3A_129, %dma_wait3A_130] : memref<50x128xi32, #tpu.memory_space<vmem>> -> memref<8x128xi32, #tpu.memory_space<vmem>>
      %dma_wait3A_132 = arith.constant 0 : i32
      %dma_wait3A_133 = arith.constant 0 : i32
      %dma_wait3A_134 = tpu.memref_slice %arg2[%add3A, %dma_wait3A_132, %dma_wait3A_133] : memref<32x50x128xi32, #tpu.memory_space<hbm>> -> memref<1x8x128xi32, #tpu.memory_space<hbm>>
      %dma_wait3A_135 = tpu.memref_squeeze %dma_wait3A_134 : memref<1x8x128xi32, #tpu.memory_space<hbm>> -> memref<8x128xi32, #tpu.memory_space<hbm>>
      tpu.wait_dma2 semaphore(%run_scoped3A : memref<!tpu.dma_semaphore, #tpu.memory_space<semaphore_mem>>) src(%dma_wait3A_135 : memref<8x128xi32, #tpu.memory_space<hbm>>) dst(%dma_wait3A_131 : memref<8x128xi32, #tpu.memory_space<vmem>>)
      tpu.yield
    }) : () -> ()
    %dma_start3A = arith.constant 8 : i32
    %dma_start3A_1 = arith.constant 0 : i32
    %dma_start3A_2 = tpu.memref_slice %arg6[%dma_start3A, %dma_start3A_1] : memref<50x128xi32, #tpu.memory_space<vmem>> -> memref<42x128xi32, #tpu.memory_space<vmem>>
    %dma_start3A_3 = arith.constant 8 : i32
    %dma_start3A_4 = arith.constant 0 : i32
    %dma_start3A_5 = tpu.memref_slice %arg2[%add3A, %dma_start3A_3, %dma_start3A_4] : memref<32x50x128xi32, #tpu.memory_space<hbm>> -> memref<1x42x128xi32, #tpu.memory_space<hbm>>
    %dma_start3A_6 = tpu.memref_squeeze %dma_start3A_5 : memref<1x42x128xi32, #tpu.memory_space<hbm>> -> memref<42x128xi32, #tpu.memory_space<hbm>>
    %dma_start3A_7 = arith.constant 8 : i32
    %dma_start3A_8 = arith.constant 0 : i32
    %dma_start3A_9 = tpu.memref_slice %arg6[%dma_start3A_7, %dma_start3A_8] : memref<50x128xi32, #tpu.memory_space<vmem>> -> memref<42x128xi32, #tpu.memory_space<vmem>>
    %dma_start3A_10 = arith.constant 8 : i32
    %dma_start3A_11 = arith.constant 0 : i32
    %dma_start3A_12 = tpu.memref_slice %arg2[%add3A, %dma_start3A_10, %dma_start3A_11] : memref<32x50x128xi32, #tpu.memory_space<hbm>> -> memref<1x42x128xi32, #tpu.memory_space<hbm>>
    %dma_start3A_13 = tpu.memref_squeeze %dma_start3A_12 : memref<1x42x128xi32, #tpu.memory_space<hbm>> -> memref<42x128xi32, #tpu.memory_space<hbm>>
    tpu.enqueue_dma source(%dma_start3A_13 : memref<42x128xi32, #tpu.memory_space<hbm>>) target(%dma_start3A_9 : memref<42x128xi32, #tpu.memory_space<vmem>>) target_semaphore(%arg24 : memref<!tpu.dma_semaphore, #tpu.memory_space<semaphore_mem>>)
    %dma_start3A_14 = arith.constant 0 : i32
    %dma_start3A_15 = arith.constant 0 : i32
    %dma_start3A_16 = tpu.memref_slice %arg3[%add3A, %dma_start3A_14, %dma_start3A_15] : memref<32x50x128xf32, #tpu.memory_space<hbm>> -> memref<1x50x128xf32, #tpu.memory_space<hbm>>
    %dma_start3A_17 = tpu.memref_squeeze %dma_start3A_16 : memref<1x50x128xf32, #tpu.memory_space<hbm>> -> memref<50x128xf32, #tpu.memory_space<hbm>>
    %dma_start3A_18 = arith.constant 0 : i32
    %dma_start3A_19 = arith.constant 0 : i32
    %dma_start3A_20 = tpu.memref_slice %arg3[%add3A, %dma_start3A_18, %dma_start3A_19] : memref<32x50x128xf32, #tpu.memory_space<hbm>> -> memref<1x50x128xf32, #tpu.memory_space<hbm>>
    %dma_start3A_21 = tpu.memref_squeeze %dma_start3A_20 : memref<1x50x128xf32, #tpu.memory_space<hbm>> -> memref<50x128xf32, #tpu.memory_space<hbm>>
    tpu.enqueue_dma source(%dma_start3A_21 : memref<50x128xf32, #tpu.memory_space<hbm>>) target(%arg7 : memref<50x128xf32, #tpu.memory_space<vmem>>) target_semaphore(%arg23 : memref<!tpu.dma_semaphore, #tpu.memory_space<semaphore_mem>>)
    %dma_start3A_22 = arith.constant 0 : i32
    %dma_start3A_23 = arith.constant 0 : i32
    %dma_start3A_24 = tpu.memref_slice %arg6[%dma_start3A_22, %dma_start3A_23] : memref<50x128xi32, #tpu.memory_space<vmem>> -> memref<1x128xi32, #tpu.memory_space<vmem>>
    %dma_start3A_25 = tpu.memref_squeeze %dma_start3A_24 : memref<1x128xi32, #tpu.memory_space<vmem>> -> memref<128xi32, #tpu.memory_space<vmem>>
    %dma_start3A_26 = arith.constant 0 : i32
    %dma_start3A_27 = arith.constant 0 : i32
    %dma_start3A_28 = tpu.memref_slice %arg4[%dma_start3A_26, %dma_start3A_27] : memref<100000x128xf32, #tpu.memory_space<hbm>> -> memref<100000x128xf32, #tpu.memory_space<hbm>>
    tpu.enqueue_indirect_dma source(%dma_start3A_28 : memref<100000x128xf32, #tpu.memory_space<hbm>>) target(%arg8 : memref<128x128xf32, #tpu.memory_space<vmem>>) offsets(%dma_start3A_25 : memref<128xi32, #tpu.memory_space<vmem>>) semaphore(%arg13 : memref<!tpu.dma_semaphore, #tpu.memory_space<semaphore_mem>>)
    %dma_start3A_29 = arith.constant 1 : i32
    %dma_start3A_30 = arith.constant 0 : i32
    %dma_start3A_31 = tpu.memref_slice %arg6[%dma_start3A_29, %dma_start3A_30] : memref<50x128xi32, #tpu.memory_space<vmem>> -> memref<1x128xi32, #tpu.memory_space<vmem>>
    %dma_start3A_32 = tpu.memref_squeeze %dma_start3A_31 : memref<1x128xi32, #tpu.memory_space<vmem>> -> memref<128xi32, #tpu.memory_space<vmem>>
    %dma_start3A_33 = arith.constant 0 : i32
    %dma_start3A_34 = arith.constant 0 : i32
    %dma_start3A_35 = tpu.memref_slice %arg4[%dma_start3A_33, %dma_start3A_34] : memref<100000x128xf32, #tpu.memory_space<hbm>> -> memref<100000x128xf32, #tpu.memory_space<hbm>>
    tpu.enqueue_indirect_dma source(%dma_start3A_35 : memref<100000x128xf32, #tpu.memory_space<hbm>>) target(%arg9 : memref<128x128xf32, #tpu.memory_space<vmem>>) offsets(%dma_start3A_32 : memref<128xi32, #tpu.memory_space<vmem>>) semaphore(%arg14 : memref<!tpu.dma_semaphore, #tpu.memory_space<semaphore_mem>>)
    %dma_wait3A = arith.constant 8 : i32
    %dma_wait3A_36 = arith.constant 0 : i32
    %dma_wait3A_37 = tpu.memref_slice %arg6[%dma_wait3A, %dma_wait3A_36] : memref<50x128xi32, #tpu.memory_space<vmem>> -> memref<42x128xi32, #tpu.memory_space<vmem>>
    %dma_wait3A_38 = arith.constant 8 : i32
    %dma_wait3A_39 = arith.constant 0 : i32
    %dma_wait3A_40 = tpu.memref_slice %arg2[%add3A, %dma_wait3A_38, %dma_wait3A_39] : memref<32x50x128xi32, #tpu.memory_space<hbm>> -> memref<1x42x128xi32, #tpu.memory_space<hbm>>
    %dma_wait3A_41 = tpu.memref_squeeze %dma_wait3A_40 : memref<1x42x128xi32, #tpu.memory_space<hbm>> -> memref<42x128xi32, #tpu.memory_space<hbm>>
    %dma_wait3A_42 = arith.constant 8 : i32
    %dma_wait3A_43 = arith.constant 0 : i32
    %dma_wait3A_44 = tpu.memref_slice %arg6[%dma_wait3A_42, %dma_wait3A_43] : memref<50x128xi32, #tpu.memory_space<vmem>> -> memref<42x128xi32, #tpu.memory_space<vmem>>
    %dma_wait3A_45 = arith.constant 8 : i32
    %dma_wait3A_46 = arith.constant 0 : i32
    %dma_wait3A_47 = tpu.memref_slice %arg2[%add3A, %dma_wait3A_45, %dma_wait3A_46] : memref<32x50x128xi32, #tpu.memory_space<hbm>> -> memref<1x42x128xi32, #tpu.memory_space<hbm>>
    %dma_wait3A_48 = tpu.memref_squeeze %dma_wait3A_47 : memref<1x42x128xi32, #tpu.memory_space<hbm>> -> memref<42x128xi32, #tpu.memory_space<hbm>>
    tpu.wait_dma2 semaphore(%arg24 : memref<!tpu.dma_semaphore, #tpu.memory_space<semaphore_mem>>) src(%dma_wait3A_48 : memref<42x128xi32, #tpu.memory_space<hbm>>) dst(%dma_wait3A_44 : memref<42x128xi32, #tpu.memory_space<vmem>>)
    %dma_wait3A_49 = arith.constant 0 : i32
    %dma_wait3A_50 = arith.constant 0 : i32
    %dma_wait3A_51 = tpu.memref_slice %arg3[%add3A, %dma_wait3A_49, %dma_wait3A_50] : memref<32x50x128xf32, #tpu.memory_space<hbm>> -> memref<1x50x128xf32, #tpu.memory_space<hbm>>
    %dma_wait3A_52 = tpu.memref_squeeze %dma_wait3A_51 : memref<1x50x128xf32, #tpu.memory_space<hbm>> -> memref<50x128xf32, #tpu.memory_space<hbm>>
    %dma_wait3A_53 = arith.constant 0 : i32
    %dma_wait3A_54 = arith.constant 0 : i32
    %dma_wait3A_55 = tpu.memref_slice %arg3[%add3A, %dma_wait3A_53, %dma_wait3A_54] : memref<32x50x128xf32, #tpu.memory_space<hbm>> -> memref<1x50x128xf32, #tpu.memory_space<hbm>>
    %dma_wait3A_56 = tpu.memref_squeeze %dma_wait3A_55 : memref<1x50x128xf32, #tpu.memory_space<hbm>> -> memref<50x128xf32, #tpu.memory_space<hbm>>
    tpu.wait_dma2 semaphore(%arg23 : memref<!tpu.dma_semaphore, #tpu.memory_space<semaphore_mem>>) src(%dma_wait3A_56 : memref<50x128xf32, #tpu.memory_space<hbm>>) dst(%arg7 : memref<50x128xf32, #tpu.memory_space<vmem>>)
    %scan3A = arith.constant 0 : i32
    %scan3A_57 = arith.constant 0 : i32
    %scan3A_58 = arith.constant 10 : i32
    %scan3A_59 = arith.addi %scan3A_57, %scan3A_58 : i32
    %scan3A_60 = arith.constant 1 : i32
    %scan3A_61 = scf.for %scan3A_108 = %scan3A_57 to %scan3A_59 step %scan3A_60 iter_args(%scan3A_109 = %scan3A) -> (i32)  : i32 {
      %mul3A_110 = arith.constant 5 : i32
      %mul3A_111 = arith.muli %scan3A_108, %mul3A_110 : i32
      %add3A_112 = arith.constant 0 : i32
      %add3A_113 = arith.addi %mul3A_111, %add3A_112 : i32
      %ge3A = arith.constant 3 : i32
      %ge3A_114 = arith.cmpi sge, %add3A_113, %ge3A : i32
      %add3A_115 = arith.constant 2 : i32
      %add3A_116 = arith.addi %add3A_113, %add3A_115 : i32
      %lt3A = arith.constant 50 : i32
      %lt3A_117 = arith.cmpi slt, %add3A_116, %lt3A : i32
      %and3A = arith.andi %ge3A_114, %lt3A_117 : i1
      %convert_element_type3A = arith.extui %and3A : i1 to i32
      %cond3A = arith.constant 0 : i32
      %cond3A_118 = arith.cmpi ne, %convert_element_type3A, %cond3A : i32
      scf.if %cond3A_118 {
        %add3A_316 = arith.constant 2 : i32
        %add3A_317 = arith.addi %add3A_113, %add3A_316 : i32
        %sub3A = arith.constant 5 : i32
        %sub3A_318 = arith.subi %add3A_317, %sub3A : i32
        %dma_wait3A_319 = arith.constant 0 : i32
        %dma_wait3A_320 = arith.constant 0 : i32
        %dma_wait3A_321 = tpu.memref_slice %arg5[%add3A, %sub3A_318, %dma_wait3A_319, %dma_wait3A_320] : memref<32x50x128x128xf32, #tpu.memory_space<hbm>> -> memref<1x1x128x128xf32, #tpu.memory_space<hbm>>
        %dma_wait3A_322 = tpu.memref_squeeze %dma_wait3A_321 : memref<1x1x128x128xf32, #tpu.memory_space<hbm>> -> memref<128x128xf32, #tpu.memory_space<hbm>>
        %dma_wait3A_323 = arith.constant 0 : i32
        %dma_wait3A_324 = arith.constant 0 : i32
        %dma_wait3A_325 = tpu.memref_slice %arg5[%add3A, %sub3A_318, %dma_wait3A_323, %dma_wait3A_324] : memref<32x50x128x128xf32, #tpu.memory_space<hbm>> -> memref<1x1x128x128xf32, #tpu.memory_space<hbm>>
        %dma_wait3A_326 = tpu.memref_squeeze %dma_wait3A_325 : memref<1x1x128x128xf32, #tpu.memory_space<hbm>> -> memref<128x128xf32, #tpu.memory_space<hbm>>
        tpu.wait_dma2 semaphore(%arg20 : memref<!tpu.dma_semaphore, #tpu.memory_space<semaphore_mem>>) src(%arg10 : memref<128x128xf32, #tpu.memory_space<vmem>>) dst(%dma_wait3A_326 : memref<128x128xf32, #tpu.memory_space<hbm>>)
      } else {
      }
      %add3A_119 = arith.constant 2 : i32
      %add3A_120 = arith.addi %add3A_113, %add3A_119 : i32
      %lt3A_121 = arith.constant 50 : i32
      %lt3A_122 = arith.cmpi slt, %add3A_120, %lt3A_121 : i32
      %convert_element_type3A_123 = arith.extui %lt3A_122 : i1 to i32
      %cond3A_124 = arith.constant 0 : i32
      %cond3A_125 = arith.cmpi ne, %convert_element_type3A_123, %cond3A_124 : i32
      scf.if %cond3A_125 {
        %add3A_316 = arith.constant 2 : i32
        %add3A_317 = arith.addi %add3A_113, %add3A_316 : i32
        %dma_start3A_318 = arith.constant 0 : i32
        %dma_start3A_319 = tpu.memref_slice %arg6[%add3A_317, %dma_start3A_318] : memref<50x128xi32, #tpu.memory_space<vmem>> -> memref<1x128xi32, #tpu.memory_space<vmem>>
        %dma_start3A_320 = tpu.memref_squeeze %dma_start3A_319 : memref<1x128xi32, #tpu.memory_space<vmem>> -> memref<128xi32, #tpu.memory_space<vmem>>
        %dma_start3A_321 = arith.constant 0 : i32
        %dma_start3A_322 = arith.constant 0 : i32
        %dma_start3A_323 = tpu.memref_slice %arg4[%dma_start3A_321, %dma_start3A_322] : memref<100000x128xf32, #tpu.memory_space<hbm>> -> memref<100000x128xf32, #tpu.memory_space<hbm>>
        tpu.enqueue_indirect_dma source(%dma_start3A_323 : memref<100000x128xf32, #tpu.memory_space<hbm>>) target(%arg10 : memref<128x128xf32, #tpu.memory_space<vmem>>) offsets(%dma_start3A_320 : memref<128xi32, #tpu.memory_space<vmem>>) semaphore(%arg15 : memref<!tpu.dma_semaphore, #tpu.memory_space<semaphore_mem>>)
      } else {
      }
      %dma_wait3A_126 = arith.constant 0 : i32
      %dma_wait3A_127 = tpu.memref_slice %arg6[%add3A_113, %dma_wait3A_126] : memref<50x128xi32, #tpu.memory_space<vmem>> -> memref<1x128xi32, #tpu.memory_space<vmem>>
      %dma_wait3A_128 = tpu.memref_squeeze %dma_wait3A_127 : memref<1x128xi32, #tpu.memory_space<vmem>> -> memref<128xi32, #tpu.memory_space<vmem>>
      %dma_wait3A_129 = arith.constant 0 : i32
      %dma_wait3A_130 = arith.constant 0 : i32
      %dma_wait3A_131 = tpu.memref_slice %arg4[%dma_wait3A_129, %dma_wait3A_130] : memref<100000x128xf32, #tpu.memory_space<hbm>> -> memref<100000x128xf32, #tpu.memory_space<hbm>>
      tpu.wait_indirect_dma semaphore(%arg13 : memref<!tpu.dma_semaphore, #tpu.memory_space<semaphore_mem>>) src(%dma_wait3A_131 : memref<100000x128xf32, #tpu.memory_space<hbm>>) dst(%arg8 : memref<128x128xf32, #tpu.memory_space<vmem>>)
      %scan3A_132 = arith.constant 0 : i32
      %scan3A_133 = arith.constant 0 : i32
      %scan3A_134 = arith.constant 8 : i32
      %scan3A_135 = arith.addi %scan3A_133, %scan3A_134 : i32
      %scan3A_136 = arith.constant 1 : i32
      %scan3A_137 = scf.for %scan3A_316 = %scan3A_133 to %scan3A_135 step %scan3A_136 iter_args(%scan3A_317 = %scan3A_132) -> (i32)  : i32 {
        %mul3A_318 = arith.constant 16 : i32
        %mul3A_319 = arith.muli %scan3A_316, %mul3A_318 : i32
        %get3A = arith.index_cast %add3A_113 : i32 to index
        %get3A_320 = arith.index_cast %mul3A_319 : i32 to index
        %get3A_321 = tpu.vector_load %arg6[%get3A, %get3A_320] {strides = array<i32>} : memref<50x128xi32, #tpu.memory_space<vmem>>, vector<16xi32>,
        %mul3A_322 = arith.constant 16 : i32
        %mul3A_323 = arith.muli %scan3A_316, %mul3A_322 : i32
        %get3A_324 = arith.index_cast %add3A_113 : i32 to index
        %get3A_325 = arith.index_cast %mul3A_323 : i32 to index
        %get3A_326 = tpu.vector_load %arg7[%get3A_324, %get3A_325] {strides = array<i32>} : memref<50x128xf32, #tpu.memory_space<vmem>>, vector<16xf32>,
        %eq3A = arith.constant 0 : i32
        %eq3A_327 = vector.broadcast %eq3A : i32 to vector<16xi32>
        %eq3A_328 = arith.cmpi eq, %get3A_321, %eq3A_327 : vector<16xi32>
        %jit3A = arith.constant 0.000000e+00 : f32
        %broadcast_in_dim3A = vector.broadcast %jit3A : f32 to vector<16xf32>
        %select_n3A = arith.select %eq3A_328, %broadcast_in_dim3A, %get3A_326 : vector<16xi1>, vector<16xf32>
        %ne3A = arith.constant 1.000000e+00 : f32
        %ne3A_329 = vector.broadcast %ne3A : f32 to vector<16xf32>
        %ne3A_330 = arith.cmpf one, %select_n3A, %ne3A_329 : vector<16xf32>
        %reduce_or3A = arith.constant 1.000000e+00 : f32
        %reduce_or3A_331 = arith.constant 0.000000e+00 : f32
        %reduce_or3A_332 = vector.broadcast %reduce_or3A : f32 to vector<16xf32>
        %reduce_or3A_333 = vector.broadcast %reduce_or3A_331 : f32 to vector<16xf32>
        %reduce_or3A_334 = arith.select %ne3A_330, %reduce_or3A_332, %reduce_or3A_333 : vector<16xi1>, vector<16xf32>
        %reduce_or3A_335 = arith.constant true
        %reduce_or3A_336 = vector.broadcast %reduce_or3A_335 : i1 to vector<16xi1>
        %reduce_or3A_337 = tpu.scan <max>, %reduce_or3A_334 masked %reduce_or3A_336 : vector<16xf32>, vector<16xi1> -> vector<16xf32>
        %reduce_or3A_338 = vector.extract %reduce_or3A_337[15] : f32 from vector<16xf32>
        %reduce_or3A_339 = arith.constant 0.000000e+00 : f32
        %reduce_or3A_340 = arith.cmpf ogt, %reduce_or3A_338, %reduce_or3A_339 : f32
        %convert_element_type3A_341 = arith.extui %reduce_or3A_340 : i1 to i32
        %cond3A_342 = arith.constant 0 : i32
        %cond3A_343 = arith.cmpi ne, %convert_element_type3A_341, %cond3A_342 : i32
        scf.if %cond3A_343 {
          %iota3A = tpu.iota {dimensions = array<i32: 0>} : vector<16xi32>
          %scan3A_345 = arith.constant 0 : i32
          %scan3A_346 = arith.constant 0 : i32
          %scan3A_347 = arith.constant 16 : i32
          %scan3A_348 = arith.addi %scan3A_346, %scan3A_347 : i32
          %scan3A_349 = arith.constant 1 : i32
          %scan3A_350 = scf.for %scan3A_352 = %scan3A_346 to %scan3A_348 step %scan3A_349 iter_args(%scan3A_353 = %scan3A_345) -> (i32)  : i32 {
            %eq3A_354 = vector.broadcast %scan3A_352 : i32 to vector<16xi32>
            %eq3A_355 = arith.cmpi eq, %iota3A, %eq3A_354 : vector<16xi32>
            %jit3A_356 = arith.constant 0.000000e+00 : f32
            %broadcast_in_dim3A_357 = vector.broadcast %jit3A_356 : f32 to vector<16xf32>
            %select_n3A_358 = arith.select %eq3A_355, %select_n3A, %broadcast_in_dim3A_357 : vector<16xi1>, vector<16xf32>
            %reduce_sum3A = arith.constant true
            %reduce_sum3A_359 = vector.broadcast %reduce_sum3A : i1 to vector<16xi1>
            %reduce_sum3A_360 = tpu.scan <sum>, %select_n3A_358 masked %reduce_sum3A_359 : vector<16xf32>, vector<16xi1> -> vector<16xf32>
            %reduce_sum3A_361 = vector.extract %reduce_sum3A_360[15] : f32 from vector<16xf32>
            %ne3A_362 = arith.constant 1.000000e+00 : f32
            %ne3A_363 = arith.cmpf one, %reduce_sum3A_361, %ne3A_362 : f32
            %convert_element_type3A_364 = arith.extui %ne3A_363 : i1 to i32
            %cond3A_365 = arith.constant 0 : i32
            %cond3A_366 = arith.cmpi ne, %convert_element_type3A_364, %cond3A_365 : i32
            scf.if %cond3A_366 {
              %mul3A_368 = arith.constant 16 : i32
              %mul3A_369 = arith.muli %scan3A_316, %mul3A_368 : i32
              %add3A_370 = arith.addi %mul3A_369, %scan3A_352 : i32
              %get3A_371 = arith.index_cast %add3A_370 : i32 to index
              %get3A_372 = arith.constant 0 : index
              %get3A_373 = tpu.vector_load %arg8[%get3A_371, %get3A_372] {strides = array<i32>} : memref<128x128xf32, #tpu.memory_space<vmem>>, vector<16xf32>,
              %mul3A_374 = vector.broadcast %reduce_sum3A_361 : f32 to vector<16xf32>
              %mul3A_375 = arith.mulf %get3A_373, %mul3A_374 : vector<16xf32>
              %swap3A = arith.index_cast %add3A_370 : i32 to index
              %swap3A_376 = arith.constant 0 : index
              %swap3A_377 = tpu.vector_load %arg8[%swap3A, %swap3A_376] {strides = array<i32>} : memref<128x128xf32, #tpu.memory_space<vmem>>, vector<16xf32>,
              tpu.vector_store %arg8[%swap3A, %swap3A_376], %mul3A_375 {strides = array<i32>} : memref<128x128xf32, #tpu.memory_space<vmem>>, vector<16xf32>,
              %get3A_378 = arith.index_cast %add3A_370 : i32 to index
              %get3A_379 = arith.constant 16 : index
              %get3A_380 = tpu.vector_load %arg8[%get3A_378, %get3A_379] {strides = array<i32>} : memref<128x128xf32, #tpu.memory_space<vmem>>, vector<16xf32>,
              %mul3A_381 = vector.broadcast %reduce_sum3A_361 : f32 to vector<16xf32>
              %mul3A_382 = arith.mulf %get3A_380, %mul3A_381 : vector<16xf32>
              %swap3A_383 = arith.index_cast %add3A_370 : i32 to index
              %swap3A_384 = arith.constant 16 : index
              %swap3A_385 = tpu.vector_load %arg8[%swap3A_383, %swap3A_384] {strides = array<i32>} : memref<128x128xf32, #tpu.memory_space<vmem>>, vector<16xf32>,
              tpu.vector_store %arg8[%swap3A_383, %swap3A_384], %mul3A_382 {strides = array<i32>} : memref<128x128xf32, #tpu.memory_space<vmem>>, vector<16xf32>,
              %get3A_386 = arith.index_cast %add3A_370 : i32 to index
              %get3A_387 = arith.constant 32 : index
              %get3A_388 = tpu.vector_load %arg8[%get3A_386, %get3A_387] {strides = array<i32>} : memref<128x128xf32, #tpu.memory_space<vmem>>, vector<16xf32>,
              %mul3A_389 = vector.broadcast %reduce_sum3A_361 : f32 to vector<16xf32>
              %mul3A_390 = arith.mulf %get3A_388, %mul3A_389 : vector<16xf32>
              %swap3A_391 = arith.index_cast %add3A_370 : i32 to index
              %swap3A_392 = arith.constant 32 : index
              %swap3A_393 = tpu.vector_load %arg8[%swap3A_391, %swap3A_392] {strides = array<i32>} : memref<128x128xf32, #tpu.memory_space<vmem>>, vector<16xf32>,
              tpu.vector_store %arg8[%swap3A_391, %swap3A_392], %mul3A_390 {strides = array<i32>} : memref<128x128xf32, #tpu.memory_space<vmem>>, vector<16xf32>,
              %get3A_394 = arith.index_cast %add3A_370 : i32 to index
              %get3A_395 = arith.constant 48 : index
              %get3A_396 = tpu.vector_load %arg8[%get3A_394, %get3A_395] {strides = array<i32>} : memref<128x128xf32, #tpu.memory_space<vmem>>, vector<16xf32>,
              %mul3A_397 = vector.broadcast %reduce_sum3A_361 : f32 to vector<16xf32>
              %mul3A_398 = arith.mulf %get3A_396, %mul3A_397 : vector<16xf32>
              %swap3A_399 = arith.index_cast %add3A_370 : i32 to index
              %swap3A_400 = arith.constant 48 : index
              %swap3A_401 = tpu.vector_load %arg8[%swap3A_399, %swap3A_400] {strides = array<i32>} : memref<128x128xf32, #tpu.memory_space<vmem>>, vector<16xf32>,
              tpu.vector_store %arg8[%swap3A_399, %swap3A_400], %mul3A_398 {strides = array<i32>} : memref<128x128xf32, #tpu.memory_space<vmem>>, vector<16xf32>,
              %get3A_402 = arith.index_cast %add3A_370 : i32 to index
              %get3A_403 = arith.constant 64 : index
              %get3A_404 = tpu.vector_load %arg8[%get3A_402, %get3A_403] {strides = array<i32>} : memref<128x128xf32, #tpu.memory_space<vmem>>, vector<16xf32>,
              %mul3A_405 = vector.broadcast %reduce_sum3A_361 : f32 to vector<16xf32>
              %mul3A_406 = arith.mulf %get3A_404, %mul3A_405 : vector<16xf32>
              %swap3A_407 = arith.index_cast %add3A_370 : i32 to index
              %swap3A_408 = arith.constant 64 : index
              %swap3A_409 = tpu.vector_load %arg8[%swap3A_407, %swap3A_408] {strides = array<i32>} : memref<128x128xf32, #tpu.memory_space<vmem>>, vector<16xf32>,
              tpu.vector_store %arg8[%swap3A_407, %swap3A_408], %mul3A_406 {strides = array<i32>} : memref<128x128xf32, #tpu.memory_space<vmem>>, vector<16xf32>,
              %get3A_410 = arith.index_cast %add3A_370 : i32 to index
              %get3A_411 = arith.constant 80 : index
              %get3A_412 = tpu.vector_load %arg8[%get3A_410, %get3A_411] {strides = array<i32>} : memref<128x128xf32, #tpu.memory_space<vmem>>, vector<16xf32>,
              %mul3A_413 = vector.broadcast %reduce_sum3A_361 : f32 to vector<16xf32>
              %mul3A_414 = arith.mulf %get3A_412, %mul3A_413 : vector<16xf32>
              %swap3A_415 = arith.index_cast %add3A_370 : i32 to index
              %swap3A_416 = arith.constant 80 : index
              %swap3A_417 = tpu.vector_load %arg8[%swap3A_415, %swap3A_416] {strides = array<i32>} : memref<128x128xf32, #tpu.memory_space<vmem>>, vector<16xf32>,
              tpu.vector_store %arg8[%swap3A_415, %swap3A_416], %mul3A_414 {strides = array<i32>} : memref<128x128xf32, #tpu.memory_space<vmem>>, vector<16xf32>,
              %get3A_418 = arith.index_cast %add3A_370 : i32 to index
              %get3A_419 = arith.constant 96 : index
              %get3A_420 = tpu.vector_load %arg8[%get3A_418, %get3A_419] {strides = array<i32>} : memref<128x128xf32, #tpu.memory_space<vmem>>, vector<16xf32>,
              %mul3A_421 = vector.broadcast %reduce_sum3A_361 : f32 to vector<16xf32>
              %mul3A_422 = arith.mulf %get3A_420, %mul3A_421 : vector<16xf32>
              %swap3A_423 = arith.index_cast %add3A_370 : i32 to index
              %swap3A_424 = arith.constant 96 : index
              %swap3A_425 = tpu.vector_load %arg8[%swap3A_423, %swap3A_424] {strides = array<i32>} : memref<128x128xf32, #tpu.memory_space<vmem>>, vector<16xf32>,
              tpu.vector_store %arg8[%swap3A_423, %swap3A_424], %mul3A_422 {strides = array<i32>} : memref<128x128xf32, #tpu.memory_space<vmem>>, vector<16xf32>,
              %get3A_426 = arith.index_cast %add3A_370 : i32 to index
              %get3A_427 = arith.constant 112 : index
              %get3A_428 = tpu.vector_load %arg8[%get3A_426, %get3A_427] {strides = array<i32>} : memref<128x128xf32, #tpu.memory_space<vmem>>, vector<16xf32>,
              %mul3A_429 = vector.broadcast %reduce_sum3A_361 : f32 to vector<16xf32>
              %mul3A_430 = arith.mulf %get3A_428, %mul3A_429 : vector<16xf32>
              %swap3A_431 = arith.index_cast %add3A_370 : i32 to index
              %swap3A_432 = arith.constant 112 : index
              %swap3A_433 = tpu.vector_load %arg8[%swap3A_431, %swap3A_432] {strides = array<i32>} : memref<128x128xf32, #tpu.memory_space<vmem>>, vector<16xf32>,
              tpu.vector_store %arg8[%swap3A_431, %swap3A_432], %mul3A_430 {strides = array<i32>} : memref<128x128xf32, #tpu.memory_space<vmem>>, vector<16xf32>,
            } else {
            }
            %scan3A_367 = arith.constant 0 : i32
            scf.yield %scan3A_367 : i32
          }
          %scan3A_351 = arith.constant 16 : i32
        } else {
        }
        %scan3A_344 = arith.constant 0 : i32
        scf.yield %scan3A_344 : i32
      }
      %scan3A_138 = arith.constant 8 : i32
      %dma_start3A_139 = arith.constant 0 : i32
      %dma_start3A_140 = arith.constant 0 : i32
      %dma_start3A_141 = tpu.memref_slice %arg5[%add3A, %add3A_113, %dma_start3A_139, %dma_start3A_140] : memref<32x50x128x128xf32, #tpu.memory_space<hbm>> -> memref<1x1x128x128xf32, #tpu.memory_space<hbm>>
      %dma_start3A_142 = tpu.memref_squeeze %dma_start3A_141 : memref<1x1x128x128xf32, #tpu.memory_space<hbm>> -> memref<128x128xf32, #tpu.memory_space<hbm>>
      %dma_start3A_143 = arith.constant 0 : i32
      %dma_start3A_144 = arith.constant 0 : i32
      %dma_start3A_145 = tpu.memref_slice %arg5[%add3A, %add3A_113, %dma_start3A_143, %dma_start3A_144] : memref<32x50x128x128xf32, #tpu.memory_space<hbm>> -> memref<1x1x128x128xf32, #tpu.memory_space<hbm>>
      %dma_start3A_146 = tpu.memref_squeeze %dma_start3A_145 : memref<1x1x128x128xf32, #tpu.memory_space<hbm>> -> memref<128x128xf32, #tpu.memory_space<hbm>>
      tpu.enqueue_dma source(%arg8 : memref<128x128xf32, #tpu.memory_space<vmem>>) target(%dma_start3A_146 : memref<128x128xf32, #tpu.memory_space<hbm>>) target_semaphore(%arg18 : memref<!tpu.dma_semaphore, #tpu.memory_space<semaphore_mem>>)
      %mul3A_147 = arith.constant 5 : i32
      %mul3A_148 = arith.muli %scan3A_108, %mul3A_147 : i32
      %add3A_149 = arith.constant 1 : i32
      %add3A_150 = arith.addi %mul3A_148, %add3A_149 : i32
      %ge3A_151 = arith.constant 3 : i32
      %ge3A_152 = arith.cmpi sge, %add3A_150, %ge3A_151 : i32
      %add3A_153 = arith.constant 2 : i32
      %add3A_154 = arith.addi %add3A_150, %add3A_153 : i32
      %lt3A_155 = arith.constant 50 : i32
      %lt3A_156 = arith.cmpi slt, %add3A_154, %lt3A_155 : i32
      %and3A_157 = arith.andi %ge3A_152, %lt3A_156 : i1
      %convert_element_type3A_158 = arith.extui %and3A_157 : i1 to i32
      %cond3A_159 = arith.constant 0 : i32
      %cond3A_160 = arith.cmpi ne, %convert_element_type3A_158, %cond3A_159 : i32
      scf.if %cond3A_160 {
        %add3A_316 = arith.constant 2 : i32
        %add3A_317 = arith.addi %add3A_150, %add3A_316 : i32
        %sub3A = arith.constant 5 : i32
        %sub3A_318 = arith.subi %add3A_317, %sub3A : i32
        %dma_wait3A_319 = arith.constant 0 : i32
        %dma_wait3A_320 = arith.constant 0 : i32
        %dma_wait3A_321 = tpu.memref_slice %arg5[%add3A, %sub3A_318, %dma_wait3A_319, %dma_wait3A_320] : memref<32x50x128x128xf32, #tpu.memory_space<hbm>> -> memref<1x1x128x128xf32, #tpu.memory_space<hbm>>
        %dma_wait3A_322 = tpu.memref_squeeze %dma_wait3A_321 : memref<1x1x128x128xf32, #tpu.memory_space<hbm>> -> memref<128x128xf32, #tpu.memory_space<hbm>>
        %dma_wait3A_323 = arith.constant 0 : i32
        %dma_wait3A_324 = arith.constant 0 : i32
        %dma_wait3A_325 = tpu.memref_slice %arg5[%add3A, %sub3A_318, %dma_wait3A_323, %dma_wait3A_324] : memref<32x50x128x128xf32, #tpu.memory_space<hbm>> -> memref<1x1x128x128xf32, #tpu.memory_space<hbm>>
        %dma_wait3A_326 = tpu.memref_squeeze %dma_wait3A_325 : memref<1x1x128x128xf32, #tpu.memory_space<hbm>> -> memref<128x128xf32, #tpu.memory_space<hbm>>
        tpu.wait_dma2 semaphore(%arg21 : memref<!tpu.dma_semaphore, #tpu.memory_space<semaphore_mem>>) src(%arg11 : memref<128x128xf32, #tpu.memory_space<vmem>>) dst(%dma_wait3A_326 : memref<128x128xf32, #tpu.memory_space<hbm>>)
      } else {
      }
      %add3A_161 = arith.constant 2 : i32
      %add3A_162 = arith.addi %add3A_150, %add3A_161 : i32
      %lt3A_163 = arith.constant 50 : i32
      %lt3A_164 = arith.cmpi slt, %add3A_162, %lt3A_163 : i32
      %convert_element_type3A_165 = arith.extui %lt3A_164 : i1 to i32
      %cond3A_166 = arith.constant 0 : i32
      %cond3A_167 = arith.cmpi ne, %convert_element_type3A_165, %cond3A_166 : i32
      scf.if %cond3A_167 {
        %add3A_316 = arith.constant 2 : i32
        %add3A_317 = arith.addi %add3A_150, %add3A_316 : i32
        %dma_start3A_318 = arith.constant 0 : i32
        %dma_start3A_319 = tpu.memref_slice %arg6[%add3A_317, %dma_start3A_318] : memref<50x128xi32, #tpu.memory_space<vmem>> -> memref<1x128xi32, #tpu.memory_space<vmem>>
        %dma_start3A_320 = tpu.memref_squeeze %dma_start3A_319 : memref<1x128xi32, #tpu.memory_space<vmem>> -> memref<128xi32, #tpu.memory_space<vmem>>
        %dma_start3A_321 = arith.constant 0 : i32
        %dma_start3A_322 = arith.constant 0 : i32
        %dma_start3A_323 = tpu.memref_slice %arg4[%dma_start3A_321, %dma_start3A_322] : memref<100000x128xf32, #tpu.memory_space<hbm>> -> memref<100000x128xf32, #tpu.memory_space<hbm>>
        tpu.enqueue_indirect_dma source(%dma_start3A_323 : memref<100000x128xf32, #tpu.memory_space<hbm>>) target(%arg11 : memref<128x128xf32, #tpu.memory_space<vmem>>) offsets(%dma_start3A_320 : memref<128xi32, #tpu.memory_space<vmem>>) semaphore(%arg16 : memref<!tpu.dma_semaphore, #tpu.memory_space<semaphore_mem>>)
      } else {
      }
      %dma_wait3A_168 = arith.constant 0 : i32
      %dma_wait3A_169 = tpu.memref_slice %arg6[%add3A_150, %dma_wait3A_168] : memref<50x128xi32, #tpu.memory_space<vmem>> -> memref<1x128xi32, #tpu.memory_space<vmem>>
      %dma_wait3A_170 = tpu.memref_squeeze %dma_wait3A_169 : memref<1x128xi32, #tpu.memory_space<vmem>> -> memref<128xi32, #tpu.memory_space<vmem>>
      %dma_wait3A_171 = arith.constant 0 : i32
      %dma_wait3A_172 = arith.constant 0 : i32
      %dma_wait3A_173 = tpu.memref_slice %arg4[%dma_wait3A_171, %dma_wait3A_172] : memref<100000x128xf32, #tpu.memory_space<hbm>> -> memref<100000x128xf32, #tpu.memory_space<hbm>>
      tpu.wait_indirect_dma semaphore(%arg14 : memref<!tpu.dma_semaphore, #tpu.memory_space<semaphore_mem>>) src(%dma_wait3A_173 : memref<100000x128xf32, #tpu.memory_space<hbm>>) dst(%arg9 : memref<128x128xf32, #tpu.memory_space<vmem>>)
      %scan3A_174 = arith.constant 0 : i32
      %scan3A_175 = arith.constant 0 : i32
      %scan3A_176 = arith.constant 8 : i32
      %scan3A_177 = arith.addi %scan3A_175, %scan3A_176 : i32
      %scan3A_178 = arith.constant 1 : i32
      %scan3A_179 = scf.for %scan3A_316 = %scan3A_175 to %scan3A_177 step %scan3A_178 iter_args(%scan3A_317 = %scan3A_174) -> (i32)  : i32 {
        %mul3A_318 = arith.constant 16 : i32
        %mul3A_319 = arith.muli %scan3A_316, %mul3A_318 : i32
        %get3A = arith.index_cast %add3A_150 : i32 to index
        %get3A_320 = arith.index_cast %mul3A_319 : i32 to index
        %get3A_321 = tpu.vector_load %arg6[%get3A, %get3A_320] {strides = array<i32>} : memref<50x128xi32, #tpu.memory_space<vmem>>, vector<16xi32>,
        %mul3A_322 = arith.constant 16 : i32
        %mul3A_323 = arith.muli %scan3A_316, %mul3A_322 : i32
        %get3A_324 = arith.index_cast %add3A_150 : i32 to index
        %get3A_325 = arith.index_cast %mul3A_323 : i32 to index
        %get3A_326 = tpu.vector_load %arg7[%get3A_324, %get3A_325] {strides = array<i32>} : memref<50x128xf32, #tpu.memory_space<vmem>>, vector<16xf32>,
        %eq3A = arith.constant 0 : i32
        %eq3A_327 = vector.broadcast %eq3A : i32 to vector<16xi32>
        %eq3A_328 = arith.cmpi eq, %get3A_321, %eq3A_327 : vector<16xi32>
        %jit3A = arith.constant 0.000000e+00 : f32
        %broadcast_in_dim3A = vector.broadcast %jit3A : f32 to vector<16xf32>
        %select_n3A = arith.select %eq3A_328, %broadcast_in_dim3A, %get3A_326 : vector<16xi1>, vector<16xf32>
        %ne3A = arith.constant 1.000000e+00 : f32
        %ne3A_329 = vector.broadcast %ne3A : f32 to vector<16xf32>
        %ne3A_330 = arith.cmpf one, %select_n3A, %ne3A_329 : vector<16xf32>
        %reduce_or3A = arith.constant 1.000000e+00 : f32
        %reduce_or3A_331 = arith.constant 0.000000e+00 : f32
        %reduce_or3A_332 = vector.broadcast %reduce_or3A : f32 to vector<16xf32>
        %reduce_or3A_333 = vector.broadcast %reduce_or3A_331 : f32 to vector<16xf32>
        %reduce_or3A_334 = arith.select %ne3A_330, %reduce_or3A_332, %reduce_or3A_333 : vector<16xi1>, vector<16xf32>
        %reduce_or3A_335 = arith.constant true
        %reduce_or3A_336 = vector.broadcast %reduce_or3A_335 : i1 to vector<16xi1>
        %reduce_or3A_337 = tpu.scan <max>, %reduce_or3A_334 masked %reduce_or3A_336 : vector<16xf32>, vector<16xi1> -> vector<16xf32>
        %reduce_or3A_338 = vector.extract %reduce_or3A_337[15] : f32 from vector<16xf32>
        %reduce_or3A_339 = arith.constant 0.000000e+00 : f32
        %reduce_or3A_340 = arith.cmpf ogt, %reduce_or3A_338, %reduce_or3A_339 : f32
        %convert_element_type3A_341 = arith.extui %reduce_or3A_340 : i1 to i32
        %cond3A_342 = arith.constant 0 : i32
        %cond3A_343 = arith.cmpi ne, %convert_element_type3A_341, %cond3A_342 : i32
        scf.if %cond3A_343 {
          %iota3A = tpu.iota {dimensions = array<i32: 0>} : vector<16xi32>
          %scan3A_345 = arith.constant 0 : i32
          %scan3A_346 = arith.constant 0 : i32
          %scan3A_347 = arith.constant 16 : i32
          %scan3A_348 = arith.addi %scan3A_346, %scan3A_347 : i32
          %scan3A_349 = arith.constant 1 : i32
          %scan3A_350 = scf.for %scan3A_352 = %scan3A_346 to %scan3A_348 step %scan3A_349 iter_args(%scan3A_353 = %scan3A_345) -> (i32)  : i32 {
            %eq3A_354 = vector.broadcast %scan3A_352 : i32 to vector<16xi32>
            %eq3A_355 = arith.cmpi eq, %iota3A, %eq3A_354 : vector<16xi32>
            %jit3A_356 = arith.constant 0.000000e+00 : f32
            %broadcast_in_dim3A_357 = vector.broadcast %jit3A_356 : f32 to vector<16xf32>
            %select_n3A_358 = arith.select %eq3A_355, %select_n3A, %broadcast_in_dim3A_357 : vector<16xi1>, vector<16xf32>
            %reduce_sum3A = arith.constant true
            %reduce_sum3A_359 = vector.broadcast %reduce_sum3A : i1 to vector<16xi1>
            %reduce_sum3A_360 = tpu.scan <sum>, %select_n3A_358 masked %reduce_sum3A_359 : vector<16xf32>, vector<16xi1> -> vector<16xf32>
            %reduce_sum3A_361 = vector.extract %reduce_sum3A_360[15] : f32 from vector<16xf32>
            %ne3A_362 = arith.constant 1.000000e+00 : f32
            %ne3A_363 = arith.cmpf one, %reduce_sum3A_361, %ne3A_362 : f32
            %convert_element_type3A_364 = arith.extui %ne3A_363 : i1 to i32
            %cond3A_365 = arith.constant 0 : i32
            %cond3A_366 = arith.cmpi ne, %convert_element_type3A_364, %cond3A_365 : i32
            scf.if %cond3A_366 {
              %mul3A_368 = arith.constant 16 : i32
              %mul3A_369 = arith.muli %scan3A_316, %mul3A_368 : i32
              %add3A_370 = arith.addi %mul3A_369, %scan3A_352 : i32
              %get3A_371 = arith.index_cast %add3A_370 : i32 to index
              %get3A_372 = arith.constant 0 : index
              %get3A_373 = tpu.vector_load %arg9[%get3A_371, %get3A_372] {strides = array<i32>} : memref<128x128xf32, #tpu.memory_space<vmem>>, vector<16xf32>,
              %mul3A_374 = vector.broadcast %reduce_sum3A_361 : f32 to vector<16xf32>
              %mul3A_375 = arith.mulf %get3A_373, %mul3A_374 : vector<16xf32>
              %swap3A = arith.index_cast %add3A_370 : i32 to index
              %swap3A_376 = arith.constant 0 : index
              %swap3A_377 = tpu.vector_load %arg9[%swap3A, %swap3A_376] {strides = array<i32>} : memref<128x128xf32, #tpu.memory_space<vmem>>, vector<16xf32>,
              tpu.vector_store %arg9[%swap3A, %swap3A_376], %mul3A_375 {strides = array<i32>} : memref<128x128xf32, #tpu.memory_space<vmem>>, vector<16xf32>,
              %get3A_378 = arith.index_cast %add3A_370 : i32 to index
              %get3A_379 = arith.constant 16 : index
              %get3A_380 = tpu.vector_load %arg9[%get3A_378, %get3A_379] {strides = array<i32>} : memref<128x128xf32, #tpu.memory_space<vmem>>, vector<16xf32>,
              %mul3A_381 = vector.broadcast %reduce_sum3A_361 : f32 to vector<16xf32>
              %mul3A_382 = arith.mulf %get3A_380, %mul3A_381 : vector<16xf32>
              %swap3A_383 = arith.index_cast %add3A_370 : i32 to index
              %swap3A_384 = arith.constant 16 : index
              %swap3A_385 = tpu.vector_load %arg9[%swap3A_383, %swap3A_384] {strides = array<i32>} : memref<128x128xf32, #tpu.memory_space<vmem>>, vector<16xf32>,
              tpu.vector_store %arg9[%swap3A_383, %swap3A_384], %mul3A_382 {strides = array<i32>} : memref<128x128xf32, #tpu.memory_space<vmem>>, vector<16xf32>,
              %get3A_386 = arith.index_cast %add3A_370 : i32 to index
              %get3A_387 = arith.constant 32 : index
              %get3A_388 = tpu.vector_load %arg9[%get3A_386, %get3A_387] {strides = array<i32>} : memref<128x128xf32, #tpu.memory_space<vmem>>, vector<16xf32>,
              %mul3A_389 = vector.broadcast %reduce_sum3A_361 : f32 to vector<16xf32>
              %mul3A_390 = arith.mulf %get3A_388, %mul3A_389 : vector<16xf32>
              %swap3A_391 = arith.index_cast %add3A_370 : i32 to index
              %swap3A_392 = arith.constant 32 : index
              %swap3A_393 = tpu.vector_load %arg9[%swap3A_391, %swap3A_392] {strides = array<i32>} : memref<128x128xf32, #tpu.memory_space<vmem>>, vector<16xf32>,
              tpu.vector_store %arg9[%swap3A_391, %swap3A_392], %mul3A_390 {strides = array<i32>} : memref<128x128xf32, #tpu.memory_space<vmem>>, vector<16xf32>,
              %get3A_394 = arith.index_cast %add3A_370 : i32 to index
              %get3A_395 = arith.constant 48 : index
              %get3A_396 = tpu.vector_load %arg9[%get3A_394, %get3A_395] {strides = array<i32>} : memref<128x128xf32, #tpu.memory_space<vmem>>, vector<16xf32>,
              %mul3A_397 = vector.broadcast %reduce_sum3A_361 : f32 to vector<16xf32>
              %mul3A_398 = arith.mulf %get3A_396, %mul3A_397 : vector<16xf32>
              %swap3A_399 = arith.index_cast %add3A_370 : i32 to index
              %swap3A_400 = arith.constant 48 : index
              %swap3A_401 = tpu.vector_load %arg9[%swap3A_399, %swap3A_400] {strides = array<i32>} : memref<128x128xf32, #tpu.memory_space<vmem>>, vector<16xf32>,
              tpu.vector_store %arg9[%swap3A_399, %swap3A_400], %mul3A_398 {strides = array<i32>} : memref<128x128xf32, #tpu.memory_space<vmem>>, vector<16xf32>,
              %get3A_402 = arith.index_cast %add3A_370 : i32 to index
              %get3A_403 = arith.constant 64 : index
              %get3A_404 = tpu.vector_load %arg9[%get3A_402, %get3A_403] {strides = array<i32>} : memref<128x128xf32, #tpu.memory_space<vmem>>, vector<16xf32>,
              %mul3A_405 = vector.broadcast %reduce_sum3A_361 : f32 to vector<16xf32>
              %mul3A_406 = arith.mulf %get3A_404, %mul3A_405 : vector<16xf32>
              %swap3A_407 = arith.index_cast %add3A_370 : i32 to index
              %swap3A_408 = arith.constant 64 : index
              %swap3A_409 = tpu.vector_load %arg9[%swap3A_407, %swap3A_408] {strides = array<i32>} : memref<128x128xf32, #tpu.memory_space<vmem>>, vector<16xf32>,
              tpu.vector_store %arg9[%swap3A_407, %swap3A_408], %mul3A_406 {strides = array<i32>} : memref<128x128xf32, #tpu.memory_space<vmem>>, vector<16xf32>,
              %get3A_410 = arith.index_cast %add3A_370 : i32 to index
              %get3A_411 = arith.constant 80 : index
              %get3A_412 = tpu.vector_load %arg9[%get3A_410, %get3A_411] {strides = array<i32>} : memref<128x128xf32, #tpu.memory_space<vmem>>, vector<16xf32>,
              %mul3A_413 = vector.broadcast %reduce_sum3A_361 : f32 to vector<16xf32>
              %mul3A_414 = arith.mulf %get3A_412, %mul3A_413 : vector<16xf32>
              %swap3A_415 = arith.index_cast %add3A_370 : i32 to index
              %swap3A_416 = arith.constant 80 : index
              %swap3A_417 = tpu.vector_load %arg9[%swap3A_415, %swap3A_416] {strides = array<i32>} : memref<128x128xf32, #tpu.memory_space<vmem>>, vector<16xf32>,
              tpu.vector_store %arg9[%swap3A_415, %swap3A_416], %mul3A_414 {strides = array<i32>} : memref<128x128xf32, #tpu.memory_space<vmem>>, vector<16xf32>,
              %get3A_418 = arith.index_cast %add3A_370 : i32 to index
              %get3A_419 = arith.constant 96 : index
              %get3A_420 = tpu.vector_load %arg9[%get3A_418, %get3A_419] {strides = array<i32>} : memref<128x128xf32, #tpu.memory_space<vmem>>, vector<16xf32>,
              %mul3A_421 = vector.broadcast %reduce_sum3A_361 : f32 to vector<16xf32>
              %mul3A_422 = arith.mulf %get3A_420, %mul3A_421 : vector<16xf32>
              %swap3A_423 = arith.index_cast %add3A_370 : i32 to index
              %swap3A_424 = arith.constant 96 : index
              %swap3A_425 = tpu.vector_load %arg9[%swap3A_423, %swap3A_424] {strides = array<i32>} : memref<128x128xf32, #tpu.memory_space<vmem>>, vector<16xf32>,
              tpu.vector_store %arg9[%swap3A_423, %swap3A_424], %mul3A_422 {strides = array<i32>} : memref<128x128xf32, #tpu.memory_space<vmem>>, vector<16xf32>,
              %get3A_426 = arith.index_cast %add3A_370 : i32 to index
              %get3A_427 = arith.constant 112 : index
              %get3A_428 = tpu.vector_load %arg9[%get3A_426, %get3A_427] {strides = array<i32>} : memref<128x128xf32, #tpu.memory_space<vmem>>, vector<16xf32>,
              %mul3A_429 = vector.broadcast %reduce_sum3A_361 : f32 to vector<16xf32>
              %mul3A_430 = arith.mulf %get3A_428, %mul3A_429 : vector<16xf32>
              %swap3A_431 = arith.index_cast %add3A_370 : i32 to index
              %swap3A_432 = arith.constant 112 : index
              %swap3A_433 = tpu.vector_load %arg9[%swap3A_431, %swap3A_432] {strides = array<i32>} : memref<128x128xf32, #tpu.memory_space<vmem>>, vector<16xf32>,
              tpu.vector_store %arg9[%swap3A_431, %swap3A_432], %mul3A_430 {strides = array<i32>} : memref<128x128xf32, #tpu.memory_space<vmem>>, vector<16xf32>,
            } else {
            }
            %scan3A_367 = arith.constant 0 : i32
            scf.yield %scan3A_367 : i32
          }
          %scan3A_351 = arith.constant 16 : i32
        } else {
        }
        %scan3A_344 = arith.constant 0 : i32
        scf.yield %scan3A_344 : i32
      }
      %scan3A_180 = arith.constant 8 : i32
      %dma_start3A_181 = arith.constant 0 : i32
      %dma_start3A_182 = arith.constant 0 : i32
      %dma_start3A_183 = tpu.memref_slice %arg5[%add3A, %add3A_150, %dma_start3A_181, %dma_start3A_182] : memref<32x50x128x128xf32, #tpu.memory_space<hbm>> -> memref<1x1x128x128xf32, #tpu.memory_space<hbm>>
      %dma_start3A_184 = tpu.memref_squeeze %dma_start3A_183 : memref<1x1x128x128xf32, #tpu.memory_space<hbm>> -> memref<128x128xf32, #tpu.memory_space<hbm>>
      %dma_start3A_185 = arith.constant 0 : i32
      %dma_start3A_186 = arith.constant 0 : i32
      %dma_start3A_187 = tpu.memref_slice %arg5[%add3A, %add3A_150, %dma_start3A_185, %dma_start3A_186] : memref<32x50x128x128xf32, #tpu.memory_space<hbm>> -> memref<1x1x128x128xf32, #tpu.memory_space<hbm>>
      %dma_start3A_188 = tpu.memref_squeeze %dma_start3A_187 : memref<1x1x128x128xf32, #tpu.memory_space<hbm>> -> memref<128x128xf32, #tpu.memory_space<hbm>>
      tpu.enqueue_dma source(%arg9 : memref<128x128xf32, #tpu.memory_space<vmem>>) target(%dma_start3A_188 : memref<128x128xf32, #tpu.memory_space<hbm>>) target_semaphore(%arg19 : memref<!tpu.dma_semaphore, #tpu.memory_space<semaphore_mem>>)
      %mul3A_189 = arith.constant 5 : i32
      %mul3A_190 = arith.muli %scan3A_108, %mul3A_189 : i32
      %add3A_191 = arith.constant 2 : i32
      %add3A_192 = arith.addi %mul3A_190, %add3A_191 : i32
      %ge3A_193 = arith.constant 3 : i32
      %ge3A_194 = arith.cmpi sge, %add3A_192, %ge3A_193 : i32
      %add3A_195 = arith.constant 2 : i32
      %add3A_196 = arith.addi %add3A_192, %add3A_195 : i32
      %lt3A_197 = arith.constant 50 : i32
      %lt3A_198 = arith.cmpi slt, %add3A_196, %lt3A_197 : i32
      %and3A_199 = arith.andi %ge3A_194, %lt3A_198 : i1
      %convert_element_type3A_200 = arith.extui %and3A_199 : i1 to i32
      %cond3A_201 = arith.constant 0 : i32
      %cond3A_202 = arith.cmpi ne, %convert_element_type3A_200, %cond3A_201 : i32
      scf.if %cond3A_202 {
        %add3A_316 = arith.constant 2 : i32
        %add3A_317 = arith.addi %add3A_192, %add3A_316 : i32
        %sub3A = arith.constant 5 : i32
        %sub3A_318 = arith.subi %add3A_317, %sub3A : i32
        %dma_wait3A_319 = arith.constant 0 : i32
        %dma_wait3A_320 = arith.constant 0 : i32
        %dma_wait3A_321 = tpu.memref_slice %arg5[%add3A, %sub3A_318, %dma_wait3A_319, %dma_wait3A_320] : memref<32x50x128x128xf32, #tpu.memory_space<hbm>> -> memref<1x1x128x128xf32, #tpu.memory_space<hbm>>
        %dma_wait3A_322 = tpu.memref_squeeze %dma_wait3A_321 : memref<1x1x128x128xf32, #tpu.memory_space<hbm>> -> memref<128x128xf32, #tpu.memory_space<hbm>>
        %dma_wait3A_323 = arith.constant 0 : i32
        %dma_wait3A_324 = arith.constant 0 : i32
        %dma_wait3A_325 = tpu.memref_slice %arg5[%add3A, %sub3A_318, %dma_wait3A_323, %dma_wait3A_324] : memref<32x50x128x128xf32, #tpu.memory_space<hbm>> -> memref<1x1x128x128xf32, #tpu.memory_space<hbm>>
        %dma_wait3A_326 = tpu.memref_squeeze %dma_wait3A_325 : memref<1x1x128x128xf32, #tpu.memory_space<hbm>> -> memref<128x128xf32, #tpu.memory_space<hbm>>
        tpu.wait_dma2 semaphore(%arg22 : memref<!tpu.dma_semaphore, #tpu.memory_space<semaphore_mem>>) src(%arg12 : memref<128x128xf32, #tpu.memory_space<vmem>>) dst(%dma_wait3A_326 : memref<128x128xf32, #tpu.memory_space<hbm>>)
      } else {
      }
      %add3A_203 = arith.constant 2 : i32
      %add3A_204 = arith.addi %add3A_192, %add3A_203 : i32
      %lt3A_205 = arith.constant 50 : i32
      %lt3A_206 = arith.cmpi slt, %add3A_204, %lt3A_205 : i32
      %convert_element_type3A_207 = arith.extui %lt3A_206 : i1 to i32
      %cond3A_208 = arith.constant 0 : i32
      %cond3A_209 = arith.cmpi ne, %convert_element_type3A_207, %cond3A_208 : i32
      scf.if %cond3A_209 {
        %add3A_316 = arith.constant 2 : i32
        %add3A_317 = arith.addi %add3A_192, %add3A_316 : i32
        %dma_start3A_318 = arith.constant 0 : i32
        %dma_start3A_319 = tpu.memref_slice %arg6[%add3A_317, %dma_start3A_318] : memref<50x128xi32, #tpu.memory_space<vmem>> -> memref<1x128xi32, #tpu.memory_space<vmem>>
        %dma_start3A_320 = tpu.memref_squeeze %dma_start3A_319 : memref<1x128xi32, #tpu.memory_space<vmem>> -> memref<128xi32, #tpu.memory_space<vmem>>
        %dma_start3A_321 = arith.constant 0 : i32
        %dma_start3A_322 = arith.constant 0 : i32
        %dma_start3A_323 = tpu.memref_slice %arg4[%dma_start3A_321, %dma_start3A_322] : memref<100000x128xf32, #tpu.memory_space<hbm>> -> memref<100000x128xf32, #tpu.memory_space<hbm>>
        tpu.enqueue_indirect_dma source(%dma_start3A_323 : memref<100000x128xf32, #tpu.memory_space<hbm>>) target(%arg12 : memref<128x128xf32, #tpu.memory_space<vmem>>) offsets(%dma_start3A_320 : memref<128xi32, #tpu.memory_space<vmem>>) semaphore(%arg17 : memref<!tpu.dma_semaphore, #tpu.memory_space<semaphore_mem>>)
      } else {
      }
      %dma_wait3A_210 = arith.constant 0 : i32
      %dma_wait3A_211 = tpu.memref_slice %arg6[%add3A_192, %dma_wait3A_210] : memref<50x128xi32, #tpu.memory_space<vmem>> -> memref<1x128xi32, #tpu.memory_space<vmem>>
      %dma_wait3A_212 = tpu.memref_squeeze %dma_wait3A_211 : memref<1x128xi32, #tpu.memory_space<vmem>> -> memref<128xi32, #tpu.memory_space<vmem>>
      %dma_wait3A_213 = arith.constant 0 : i32
      %dma_wait3A_214 = arith.constant 0 : i32
      %dma_wait3A_215 = tpu.memref_slice %arg4[%dma_wait3A_213, %dma_wait3A_214] : memref<100000x128xf32, #tpu.memory_space<hbm>> -> memref<100000x128xf32, #tpu.memory_space<hbm>>
      tpu.wait_indirect_dma semaphore(%arg15 : memref<!tpu.dma_semaphore, #tpu.memory_space<semaphore_mem>>) src(%dma_wait3A_215 : memref<100000x128xf32, #tpu.memory_space<hbm>>) dst(%arg10 : memref<128x128xf32, #tpu.memory_space<vmem>>)
      %scan3A_216 = arith.constant 0 : i32
      %scan3A_217 = arith.constant 0 : i32
      %scan3A_218 = arith.constant 8 : i32
      %scan3A_219 = arith.addi %scan3A_217, %scan3A_218 : i32
      %scan3A_220 = arith.constant 1 : i32
      %scan3A_221 = scf.for %scan3A_316 = %scan3A_217 to %scan3A_219 step %scan3A_220 iter_args(%scan3A_317 = %scan3A_216) -> (i32)  : i32 {
        %mul3A_318 = arith.constant 16 : i32
        %mul3A_319 = arith.muli %scan3A_316, %mul3A_318 : i32
        %get3A = arith.index_cast %add3A_192 : i32 to index
        %get3A_320 = arith.index_cast %mul3A_319 : i32 to index
        %get3A_321 = tpu.vector_load %arg6[%get3A, %get3A_320] {strides = array<i32>} : memref<50x128xi32, #tpu.memory_space<vmem>>, vector<16xi32>,
        %mul3A_322 = arith.constant 16 : i32
        %mul3A_323 = arith.muli %scan3A_316, %mul3A_322 : i32
        %get3A_324 = arith.index_cast %add3A_192 : i32 to index
        %get3A_325 = arith.index_cast %mul3A_323 : i32 to index
        %get3A_326 = tpu.vector_load %arg7[%get3A_324, %get3A_325] {strides = array<i32>} : memref<50x128xf32, #tpu.memory_space<vmem>>, vector<16xf32>,
        %eq3A = arith.constant 0 : i32
        %eq3A_327 = vector.broadcast %eq3A : i32 to vector<16xi32>
        %eq3A_328 = arith.cmpi eq, %get3A_321, %eq3A_327 : vector<16xi32>
        %jit3A = arith.constant 0.000000e+00 : f32
        %broadcast_in_dim3A = vector.broadcast %jit3A : f32 to vector<16xf32>
        %select_n3A = arith.select %eq3A_328, %broadcast_in_dim3A, %get3A_326 : vector<16xi1>, vector<16xf32>
        %ne3A = arith.constant 1.000000e+00 : f32
        %ne3A_329 = vector.broadcast %ne3A : f32 to vector<16xf32>
        %ne3A_330 = arith.cmpf one, %select_n3A, %ne3A_329 : vector<16xf32>
        %reduce_or3A = arith.constant 1.000000e+00 : f32
        %reduce_or3A_331 = arith.constant 0.000000e+00 : f32
        %reduce_or3A_332 = vector.broadcast %reduce_or3A : f32 to vector<16xf32>
        %reduce_or3A_333 = vector.broadcast %reduce_or3A_331 : f32 to vector<16xf32>
        %reduce_or3A_334 = arith.select %ne3A_330, %reduce_or3A_332, %reduce_or3A_333 : vector<16xi1>, vector<16xf32>
        %reduce_or3A_335 = arith.constant true
        %reduce_or3A_336 = vector.broadcast %reduce_or3A_335 : i1 to vector<16xi1>
        %reduce_or3A_337 = tpu.scan <max>, %reduce_or3A_334 masked %reduce_or3A_336 : vector<16xf32>, vector<16xi1> -> vector<16xf32>
        %reduce_or3A_338 = vector.extract %reduce_or3A_337[15] : f32 from vector<16xf32>
        %reduce_or3A_339 = arith.constant 0.000000e+00 : f32
        %reduce_or3A_340 = arith.cmpf ogt, %reduce_or3A_338, %reduce_or3A_339 : f32
        %convert_element_type3A_341 = arith.extui %reduce_or3A_340 : i1 to i32
        %cond3A_342 = arith.constant 0 : i32
        %cond3A_343 = arith.cmpi ne, %convert_element_type3A_341, %cond3A_342 : i32
        scf.if %cond3A_343 {
          %iota3A = tpu.iota {dimensions = array<i32: 0>} : vector<16xi32>
          %scan3A_345 = arith.constant 0 : i32
          %scan3A_346 = arith.constant 0 : i32
          %scan3A_347 = arith.constant 16 : i32
          %scan3A_348 = arith.addi %scan3A_346, %scan3A_347 : i32
          %scan3A_349 = arith.constant 1 : i32
          %scan3A_350 = scf.for %scan3A_352 = %scan3A_346 to %scan3A_348 step %scan3A_349 iter_args(%scan3A_353 = %scan3A_345) -> (i32)  : i32 {
            %eq3A_354 = vector.broadcast %scan3A_352 : i32 to vector<16xi32>
            %eq3A_355 = arith.cmpi eq, %iota3A, %eq3A_354 : vector<16xi32>
            %jit3A_356 = arith.constant 0.000000e+00 : f32
            %broadcast_in_dim3A_357 = vector.broadcast %jit3A_356 : f32 to vector<16xf32>
            %select_n3A_358 = arith.select %eq3A_355, %select_n3A, %broadcast_in_dim3A_357 : vector<16xi1>, vector<16xf32>
            %reduce_sum3A = arith.constant true
            %reduce_sum3A_359 = vector.broadcast %reduce_sum3A : i1 to vector<16xi1>
            %reduce_sum3A_360 = tpu.scan <sum>, %select_n3A_358 masked %reduce_sum3A_359 : vector<16xf32>, vector<16xi1> -> vector<16xf32>
            %reduce_sum3A_361 = vector.extract %reduce_sum3A_360[15] : f32 from vector<16xf32>
            %ne3A_362 = arith.constant 1.000000e+00 : f32
            %ne3A_363 = arith.cmpf one, %reduce_sum3A_361, %ne3A_362 : f32
            %convert_element_type3A_364 = arith.extui %ne3A_363 : i1 to i32
            %cond3A_365 = arith.constant 0 : i32
            %cond3A_366 = arith.cmpi ne, %convert_element_type3A_364, %cond3A_365 : i32
            scf.if %cond3A_366 {
              %mul3A_368 = arith.constant 16 : i32
              %mul3A_369 = arith.muli %scan3A_316, %mul3A_368 : i32
              %add3A_370 = arith.addi %mul3A_369, %scan3A_352 : i32
              %get3A_371 = arith.index_cast %add3A_370 : i32 to index
              %get3A_372 = arith.constant 0 : index
              %get3A_373 = tpu.vector_load %arg10[%get3A_371, %get3A_372] {strides = array<i32>} : memref<128x128xf32, #tpu.memory_space<vmem>>, vector<16xf32>,
              %mul3A_374 = vector.broadcast %reduce_sum3A_361 : f32 to vector<16xf32>
              %mul3A_375 = arith.mulf %get3A_373, %mul3A_374 : vector<16xf32>
              %swap3A = arith.index_cast %add3A_370 : i32 to index
              %swap3A_376 = arith.constant 0 : index
              %swap3A_377 = tpu.vector_load %arg10[%swap3A, %swap3A_376] {strides = array<i32>} : memref<128x128xf32, #tpu.memory_space<vmem>>, vector<16xf32>,
              tpu.vector_store %arg10[%swap3A, %swap3A_376], %mul3A_375 {strides = array<i32>} : memref<128x128xf32, #tpu.memory_space<vmem>>, vector<16xf32>,
              %get3A_378 = arith.index_cast %add3A_370 : i32 to index
              %get3A_379 = arith.constant 16 : index
              %get3A_380 = tpu.vector_load %arg10[%get3A_378, %get3A_379] {strides = array<i32>} : memref<128x128xf32, #tpu.memory_space<vmem>>, vector<16xf32>,
              %mul3A_381 = vector.broadcast %reduce_sum3A_361 : f32 to vector<16xf32>
              %mul3A_382 = arith.mulf %get3A_380, %mul3A_381 : vector<16xf32>
              %swap3A_383 = arith.index_cast %add3A_370 : i32 to index
              %swap3A_384 = arith.constant 16 : index
              %swap3A_385 = tpu.vector_load %arg10[%swap3A_383, %swap3A_384] {strides = array<i32>} : memref<128x128xf32, #tpu.memory_space<vmem>>, vector<16xf32>,
              tpu.vector_store %arg10[%swap3A_383, %swap3A_384], %mul3A_382 {strides = array<i32>} : memref<128x128xf32, #tpu.memory_space<vmem>>, vector<16xf32>,
              %get3A_386 = arith.index_cast %add3A_370 : i32 to index
              %get3A_387 = arith.constant 32 : index
              %get3A_388 = tpu.vector_load %arg10[%get3A_386, %get3A_387] {strides = array<i32>} : memref<128x128xf32, #tpu.memory_space<vmem>>, vector<16xf32>,
              %mul3A_389 = vector.broadcast %reduce_sum3A_361 : f32 to vector<16xf32>
              %mul3A_390 = arith.mulf %get3A_388, %mul3A_389 : vector<16xf32>
              %swap3A_391 = arith.index_cast %add3A_370 : i32 to index
              %swap3A_392 = arith.constant 32 : index
              %swap3A_393 = tpu.vector_load %arg10[%swap3A_391, %swap3A_392] {strides = array<i32>} : memref<128x128xf32, #tpu.memory_space<vmem>>, vector<16xf32>,
              tpu.vector_store %arg10[%swap3A_391, %swap3A_392], %mul3A_390 {strides = array<i32>} : memref<128x128xf32, #tpu.memory_space<vmem>>, vector<16xf32>,
              %get3A_394 = arith.index_cast %add3A_370 : i32 to index
              %get3A_395 = arith.constant 48 : index
              %get3A_396 = tpu.vector_load %arg10[%get3A_394, %get3A_395] {strides = array<i32>} : memref<128x128xf32, #tpu.memory_space<vmem>>, vector<16xf32>,
              %mul3A_397 = vector.broadcast %reduce_sum3A_361 : f32 to vector<16xf32>
              %mul3A_398 = arith.mulf %get3A_396, %mul3A_397 : vector<16xf32>
              %swap3A_399 = arith.index_cast %add3A_370 : i32 to index
              %swap3A_400 = arith.constant 48 : index
              %swap3A_401 = tpu.vector_load %arg10[%swap3A_399, %swap3A_400] {strides = array<i32>} : memref<128x128xf32, #tpu.memory_space<vmem>>, vector<16xf32>,
              tpu.vector_store %arg10[%swap3A_399, %swap3A_400], %mul3A_398 {strides = array<i32>} : memref<128x128xf32, #tpu.memory_space<vmem>>, vector<16xf32>,
              %get3A_402 = arith.index_cast %add3A_370 : i32 to index
              %get3A_403 = arith.constant 64 : index
              %get3A_404 = tpu.vector_load %arg10[%get3A_402, %get3A_403] {strides = array<i32>} : memref<128x128xf32, #tpu.memory_space<vmem>>, vector<16xf32>,
              %mul3A_405 = vector.broadcast %reduce_sum3A_361 : f32 to vector<16xf32>
              %mul3A_406 = arith.mulf %get3A_404, %mul3A_405 : vector<16xf32>
              %swap3A_407 = arith.index_cast %add3A_370 : i32 to index
              %swap3A_408 = arith.constant 64 : index
              %swap3A_409 = tpu.vector_load %arg10[%swap3A_407, %swap3A_408] {strides = array<i32>} : memref<128x128xf32, #tpu.memory_space<vmem>>, vector<16xf32>,
              tpu.vector_store %arg10[%swap3A_407, %swap3A_408], %mul3A_406 {strides = array<i32>} : memref<128x128xf32, #tpu.memory_space<vmem>>, vector<16xf32>,
              %get3A_410 = arith.index_cast %add3A_370 : i32 to index
              %get3A_411 = arith.constant 80 : index
              %get3A_412 = tpu.vector_load %arg10[%get3A_410, %get3A_411] {strides = array<i32>} : memref<128x128xf32, #tpu.memory_space<vmem>>, vector<16xf32>,
              %mul3A_413 = vector.broadcast %reduce_sum3A_361 : f32 to vector<16xf32>
              %mul3A_414 = arith.mulf %get3A_412, %mul3A_413 : vector<16xf32>
              %swap3A_415 = arith.index_cast %add3A_370 : i32 to index
              %swap3A_416 = arith.constant 80 : index
              %swap3A_417 = tpu.vector_load %arg10[%swap3A_415, %swap3A_416] {strides = array<i32>} : memref<128x128xf32, #tpu.memory_space<vmem>>, vector<16xf32>,
              tpu.vector_store %arg10[%swap3A_415, %swap3A_416], %mul3A_414 {strides = array<i32>} : memref<128x128xf32, #tpu.memory_space<vmem>>, vector<16xf32>,
              %get3A_418 = arith.index_cast %add3A_370 : i32 to index
              %get3A_419 = arith.constant 96 : index
              %get3A_420 = tpu.vector_load %arg10[%get3A_418, %get3A_419] {strides = array<i32>} : memref<128x128xf32, #tpu.memory_space<vmem>>, vector<16xf32>,
              %mul3A_421 = vector.broadcast %reduce_sum3A_361 : f32 to vector<16xf32>
              %mul3A_422 = arith.mulf %get3A_420, %mul3A_421 : vector<16xf32>
              %swap3A_423 = arith.index_cast %add3A_370 : i32 to index
              %swap3A_424 = arith.constant 96 : index
              %swap3A_425 = tpu.vector_load %arg10[%swap3A_423, %swap3A_424] {strides = array<i32>} : memref<128x128xf32, #tpu.memory_space<vmem>>, vector<16xf32>,
              tpu.vector_store %arg10[%swap3A_423, %swap3A_424], %mul3A_422 {strides = array<i32>} : memref<128x128xf32, #tpu.memory_space<vmem>>, vector<16xf32>,
              %get3A_426 = arith.index_cast %add3A_370 : i32 to index
              %get3A_427 = arith.constant 112 : index
              %get3A_428 = tpu.vector_load %arg10[%get3A_426, %get3A_427] {strides = array<i32>} : memref<128x128xf32, #tpu.memory_space<vmem>>, vector<16xf32>,
              %mul3A_429 = vector.broadcast %reduce_sum3A_361 : f32 to vector<16xf32>
              %mul3A_430 = arith.mulf %get3A_428, %mul3A_429 : vector<16xf32>
              %swap3A_431 = arith.index_cast %add3A_370 : i32 to index
              %swap3A_432 = arith.constant 112 : index
              %swap3A_433 = tpu.vector_load %arg10[%swap3A_431, %swap3A_432] {strides = array<i32>} : memref<128x128xf32, #tpu.memory_space<vmem>>, vector<16xf32>,
              tpu.vector_store %arg10[%swap3A_431, %swap3A_432], %mul3A_430 {strides = array<i32>} : memref<128x128xf32, #tpu.memory_space<vmem>>, vector<16xf32>,
            } else {
            }
            %scan3A_367 = arith.constant 0 : i32
            scf.yield %scan3A_367 : i32
          }
          %scan3A_351 = arith.constant 16 : i32
        } else {
        }
        %scan3A_344 = arith.constant 0 : i32
        scf.yield %scan3A_344 : i32
      }
      %scan3A_222 = arith.constant 8 : i32
      %dma_start3A_223 = arith.constant 0 : i32
      %dma_start3A_224 = arith.constant 0 : i32
      %dma_start3A_225 = tpu.memref_slice %arg5[%add3A, %add3A_192, %dma_start3A_223, %dma_start3A_224] : memref<32x50x128x128xf32, #tpu.memory_space<hbm>> -> memref<1x1x128x128xf32, #tpu.memory_space<hbm>>
      %dma_start3A_226 = tpu.memref_squeeze %dma_start3A_225 : memref<1x1x128x128xf32, #tpu.memory_space<hbm>> -> memref<128x128xf32, #tpu.memory_space<hbm>>
      %dma_start3A_227 = arith.constant 0 : i32
      %dma_start3A_228 = arith.constant 0 : i32
      %dma_start3A_229 = tpu.memref_slice %arg5[%add3A, %add3A_192, %dma_start3A_227, %dma_start3A_228] : memref<32x50x128x128xf32, #tpu.memory_space<hbm>> -> memref<1x1x128x128xf32, #tpu.memory_space<hbm>>
      %dma_start3A_230 = tpu.memref_squeeze %dma_start3A_229 : memref<1x1x128x128xf32, #tpu.memory_space<hbm>> -> memref<128x128xf32, #tpu.memory_space<hbm>>
      tpu.enqueue_dma source(%arg10 : memref<128x128xf32, #tpu.memory_space<vmem>>) target(%dma_start3A_230 : memref<128x128xf32, #tpu.memory_space<hbm>>) target_semaphore(%arg20 : memref<!tpu.dma_semaphore, #tpu.memory_space<semaphore_mem>>)
      %mul3A_231 = arith.constant 5 : i32
      %mul3A_232 = arith.muli %scan3A_108, %mul3A_231 : i32
      %add3A_233 = arith.constant 3 : i32
      %add3A_234 = arith.addi %mul3A_232, %add3A_233 : i32
      %ge3A_235 = arith.constant 3 : i32
      %ge3A_236 = arith.cmpi sge, %add3A_234, %ge3A_235 : i32
      %add3A_237 = arith.constant 2 : i32
      %add3A_238 = arith.addi %add3A_234, %add3A_237 : i32
      %lt3A_239 = arith.constant 50 : i32
      %lt3A_240 = arith.cmpi slt, %add3A_238, %lt3A_239 : i32
      %and3A_241 = arith.andi %ge3A_236, %lt3A_240 : i1
      %convert_element_type3A_242 = arith.extui %and3A_241 : i1 to i32
      %cond3A_243 = arith.constant 0 : i32
      %cond3A_244 = arith.cmpi ne, %convert_element_type3A_242, %cond3A_243 : i32
      scf.if %cond3A_244 {
        %add3A_316 = arith.constant 2 : i32
        %add3A_317 = arith.addi %add3A_234, %add3A_316 : i32
        %sub3A = arith.constant 5 : i32
        %sub3A_318 = arith.subi %add3A_317, %sub3A : i32
        %dma_wait3A_319 = arith.constant 0 : i32
        %dma_wait3A_320 = arith.constant 0 : i32
        %dma_wait3A_321 = tpu.memref_slice %arg5[%add3A, %sub3A_318, %dma_wait3A_319, %dma_wait3A_320] : memref<32x50x128x128xf32, #tpu.memory_space<hbm>> -> memref<1x1x128x128xf32, #tpu.memory_space<hbm>>
        %dma_wait3A_322 = tpu.memref_squeeze %dma_wait3A_321 : memref<1x1x128x128xf32, #tpu.memory_space<hbm>> -> memref<128x128xf32, #tpu.memory_space<hbm>>
        %dma_wait3A_323 = arith.constant 0 : i32
        %dma_wait3A_324 = arith.constant 0 : i32
        %dma_wait3A_325 = tpu.memref_slice %arg5[%add3A, %sub3A_318, %dma_wait3A_323, %dma_wait3A_324] : memref<32x50x128x128xf32, #tpu.memory_space<hbm>> -> memref<1x1x128x128xf32, #tpu.memory_space<hbm>>
        %dma_wait3A_326 = tpu.memref_squeeze %dma_wait3A_325 : memref<1x1x128x128xf32, #tpu.memory_space<hbm>> -> memref<128x128xf32, #tpu.memory_space<hbm>>
        tpu.wait_dma2 semaphore(%arg18 : memref<!tpu.dma_semaphore, #tpu.memory_space<semaphore_mem>>) src(%arg8 : memref<128x128xf32, #tpu.memory_space<vmem>>) dst(%dma_wait3A_326 : memref<128x128xf32, #tpu.memory_space<hbm>>)
      } else {
      }
      %add3A_245 = arith.constant 2 : i32
      %add3A_246 = arith.addi %add3A_234, %add3A_245 : i32
      %lt3A_247 = arith.constant 50 : i32
      %lt3A_248 = arith.cmpi slt, %add3A_246, %lt3A_247 : i32
      %convert_element_type3A_249 = arith.extui %lt3A_248 : i1 to i32
      %cond3A_250 = arith.constant 0 : i32
      %cond3A_251 = arith.cmpi ne, %convert_element_type3A_249, %cond3A_250 : i32
      scf.if %cond3A_251 {
        %add3A_316 = arith.constant 2 : i32
        %add3A_317 = arith.addi %add3A_234, %add3A_316 : i32
        %dma_start3A_318 = arith.constant 0 : i32
        %dma_start3A_319 = tpu.memref_slice %arg6[%add3A_317, %dma_start3A_318] : memref<50x128xi32, #tpu.memory_space<vmem>> -> memref<1x128xi32, #tpu.memory_space<vmem>>
        %dma_start3A_320 = tpu.memref_squeeze %dma_start3A_319 : memref<1x128xi32, #tpu.memory_space<vmem>> -> memref<128xi32, #tpu.memory_space<vmem>>
        %dma_start3A_321 = arith.constant 0 : i32
        %dma_start3A_322 = arith.constant 0 : i32
        %dma_start3A_323 = tpu.memref_slice %arg4[%dma_start3A_321, %dma_start3A_322] : memref<100000x128xf32, #tpu.memory_space<hbm>> -> memref<100000x128xf32, #tpu.memory_space<hbm>>
        tpu.enqueue_indirect_dma source(%dma_start3A_323 : memref<100000x128xf32, #tpu.memory_space<hbm>>) target(%arg8 : memref<128x128xf32, #tpu.memory_space<vmem>>) offsets(%dma_start3A_320 : memref<128xi32, #tpu.memory_space<vmem>>) semaphore(%arg13 : memref<!tpu.dma_semaphore, #tpu.memory_space<semaphore_mem>>)
      } else {
      }
      %dma_wait3A_252 = arith.constant 0 : i32
      %dma_wait3A_253 = tpu.memref_slice %arg6[%add3A_234, %dma_wait3A_252] : memref<50x128xi32, #tpu.memory_space<vmem>> -> memref<1x128xi32, #tpu.memory_space<vmem>>
      %dma_wait3A_254 = tpu.memref_squeeze %dma_wait3A_253 : memref<1x128xi32, #tpu.memory_space<vmem>> -> memref<128xi32, #tpu.memory_space<vmem>>
      %dma_wait3A_255 = arith.constant 0 : i32
      %dma_wait3A_256 = arith.constant 0 : i32
      %dma_wait3A_257 = tpu.memref_slice %arg4[%dma_wait3A_255, %dma_wait3A_256] : memref<100000x128xf32, #tpu.memory_space<hbm>> -> memref<100000x128xf32, #tpu.memory_space<hbm>>
      tpu.wait_indirect_dma semaphore(%arg16 : memref<!tpu.dma_semaphore, #tpu.memory_space<semaphore_mem>>) src(%dma_wait3A_257 : memref<100000x128xf32, #tpu.memory_space<hbm>>) dst(%arg11 : memref<128x128xf32, #tpu.memory_space<vmem>>)
      %scan3A_258 = arith.constant 0 : i32
      %scan3A_259 = arith.constant 0 : i32
      %scan3A_260 = arith.constant 8 : i32
      %scan3A_261 = arith.addi %scan3A_259, %scan3A_260 : i32
      %scan3A_262 = arith.constant 1 : i32
      %scan3A_263 = scf.for %scan3A_316 = %scan3A_259 to %scan3A_261 step %scan3A_262 iter_args(%scan3A_317 = %scan3A_258) -> (i32)  : i32 {
        %mul3A_318 = arith.constant 16 : i32
        %mul3A_319 = arith.muli %scan3A_316, %mul3A_318 : i32
        %get3A = arith.index_cast %add3A_234 : i32 to index
        %get3A_320 = arith.index_cast %mul3A_319 : i32 to index
        %get3A_321 = tpu.vector_load %arg6[%get3A, %get3A_320] {strides = array<i32>} : memref<50x128xi32, #tpu.memory_space<vmem>>, vector<16xi32>,
        %mul3A_322 = arith.constant 16 : i32
        %mul3A_323 = arith.muli %scan3A_316, %mul3A_322 : i32
        %get3A_324 = arith.index_cast %add3A_234 : i32 to index
        %get3A_325 = arith.index_cast %mul3A_323 : i32 to index
        %get3A_326 = tpu.vector_load %arg7[%get3A_324, %get3A_325] {strides = array<i32>} : memref<50x128xf32, #tpu.memory_space<vmem>>, vector<16xf32>,
        %eq3A = arith.constant 0 : i32
        %eq3A_327 = vector.broadcast %eq3A : i32 to vector<16xi32>
        %eq3A_328 = arith.cmpi eq, %get3A_321, %eq3A_327 : vector<16xi32>
        %jit3A = arith.constant 0.000000e+00 : f32
        %broadcast_in_dim3A = vector.broadcast %jit3A : f32 to vector<16xf32>
        %select_n3A = arith.select %eq3A_328, %broadcast_in_dim3A, %get3A_326 : vector<16xi1>, vector<16xf32>
        %ne3A = arith.constant 1.000000e+00 : f32
        %ne3A_329 = vector.broadcast %ne3A : f32 to vector<16xf32>
        %ne3A_330 = arith.cmpf one, %select_n3A, %ne3A_329 : vector<16xf32>
        %reduce_or3A = arith.constant 1.000000e+00 : f32
        %reduce_or3A_331 = arith.constant 0.000000e+00 : f32
        %reduce_or3A_332 = vector.broadcast %reduce_or3A : f32 to vector<16xf32>
        %reduce_or3A_333 = vector.broadcast %reduce_or3A_331 : f32 to vector<16xf32>
        %reduce_or3A_334 = arith.select %ne3A_330, %reduce_or3A_332, %reduce_or3A_333 : vector<16xi1>, vector<16xf32>
        %reduce_or3A_335 = arith.constant true
        %reduce_or3A_336 = vector.broadcast %reduce_or3A_335 : i1 to vector<16xi1>
        %reduce_or3A_337 = tpu.scan <max>, %reduce_or3A_334 masked %reduce_or3A_336 : vector<16xf32>, vector<16xi1> -> vector<16xf32>
        %reduce_or3A_338 = vector.extract %reduce_or3A_337[15] : f32 from vector<16xf32>
        %reduce_or3A_339 = arith.constant 0.000000e+00 : f32
        %reduce_or3A_340 = arith.cmpf ogt, %reduce_or3A_338, %reduce_or3A_339 : f32
        %convert_element_type3A_341 = arith.extui %reduce_or3A_340 : i1 to i32
        %cond3A_342 = arith.constant 0 : i32
        %cond3A_343 = arith.cmpi ne, %convert_element_type3A_341, %cond3A_342 : i32
        scf.if %cond3A_343 {
          %iota3A = tpu.iota {dimensions = array<i32: 0>} : vector<16xi32>
          %scan3A_345 = arith.constant 0 : i32
          %scan3A_346 = arith.constant 0 : i32
          %scan3A_347 = arith.constant 16 : i32
          %scan3A_348 = arith.addi %scan3A_346, %scan3A_347 : i32
          %scan3A_349 = arith.constant 1 : i32
          %scan3A_350 = scf.for %scan3A_352 = %scan3A_346 to %scan3A_348 step %scan3A_349 iter_args(%scan3A_353 = %scan3A_345) -> (i32)  : i32 {
            %eq3A_354 = vector.broadcast %scan3A_352 : i32 to vector<16xi32>
            %eq3A_355 = arith.cmpi eq, %iota3A, %eq3A_354 : vector<16xi32>
            %jit3A_356 = arith.constant 0.000000e+00 : f32
            %broadcast_in_dim3A_357 = vector.broadcast %jit3A_356 : f32 to vector<16xf32>
            %select_n3A_358 = arith.select %eq3A_355, %select_n3A, %broadcast_in_dim3A_357 : vector<16xi1>, vector<16xf32>
            %reduce_sum3A = arith.constant true
            %reduce_sum3A_359 = vector.broadcast %reduce_sum3A : i1 to vector<16xi1>
            %reduce_sum3A_360 = tpu.scan <sum>, %select_n3A_358 masked %reduce_sum3A_359 : vector<16xf32>, vector<16xi1> -> vector<16xf32>
            %reduce_sum3A_361 = vector.extract %reduce_sum3A_360[15] : f32 from vector<16xf32>
            %ne3A_362 = arith.constant 1.000000e+00 : f32
            %ne3A_363 = arith.cmpf one, %reduce_sum3A_361, %ne3A_362 : f32
            %convert_element_type3A_364 = arith.extui %ne3A_363 : i1 to i32
            %cond3A_365 = arith.constant 0 : i32
            %cond3A_366 = arith.cmpi ne, %convert_element_type3A_364, %cond3A_365 : i32
            scf.if %cond3A_366 {
              %mul3A_368 = arith.constant 16 : i32
              %mul3A_369 = arith.muli %scan3A_316, %mul3A_368 : i32
              %add3A_370 = arith.addi %mul3A_369, %scan3A_352 : i32
              %get3A_371 = arith.index_cast %add3A_370 : i32 to index
              %get3A_372 = arith.constant 0 : index
              %get3A_373 = tpu.vector_load %arg11[%get3A_371, %get3A_372] {strides = array<i32>} : memref<128x128xf32, #tpu.memory_space<vmem>>, vector<16xf32>,
              %mul3A_374 = vector.broadcast %reduce_sum3A_361 : f32 to vector<16xf32>
              %mul3A_375 = arith.mulf %get3A_373, %mul3A_374 : vector<16xf32>
              %swap3A = arith.index_cast %add3A_370 : i32 to index
              %swap3A_376 = arith.constant 0 : index
              %swap3A_377 = tpu.vector_load %arg11[%swap3A, %swap3A_376] {strides = array<i32>} : memref<128x128xf32, #tpu.memory_space<vmem>>, vector<16xf32>,
              tpu.vector_store %arg11[%swap3A, %swap3A_376], %mul3A_375 {strides = array<i32>} : memref<128x128xf32, #tpu.memory_space<vmem>>, vector<16xf32>,
              %get3A_378 = arith.index_cast %add3A_370 : i32 to index
              %get3A_379 = arith.constant 16 : index
              %get3A_380 = tpu.vector_load %arg11[%get3A_378, %get3A_379] {strides = array<i32>} : memref<128x128xf32, #tpu.memory_space<vmem>>, vector<16xf32>,
              %mul3A_381 = vector.broadcast %reduce_sum3A_361 : f32 to vector<16xf32>
              %mul3A_382 = arith.mulf %get3A_380, %mul3A_381 : vector<16xf32>
              %swap3A_383 = arith.index_cast %add3A_370 : i32 to index
              %swap3A_384 = arith.constant 16 : index
              %swap3A_385 = tpu.vector_load %arg11[%swap3A_383, %swap3A_384] {strides = array<i32>} : memref<128x128xf32, #tpu.memory_space<vmem>>, vector<16xf32>,
              tpu.vector_store %arg11[%swap3A_383, %swap3A_384], %mul3A_382 {strides = array<i32>} : memref<128x128xf32, #tpu.memory_space<vmem>>, vector<16xf32>,
              %get3A_386 = arith.index_cast %add3A_370 : i32 to index
              %get3A_387 = arith.constant 32 : index
              %get3A_388 = tpu.vector_load %arg11[%get3A_386, %get3A_387] {strides = array<i32>} : memref<128x128xf32, #tpu.memory_space<vmem>>, vector<16xf32>,
              %mul3A_389 = vector.broadcast %reduce_sum3A_361 : f32 to vector<16xf32>
              %mul3A_390 = arith.mulf %get3A_388, %mul3A_389 : vector<16xf32>
              %swap3A_391 = arith.index_cast %add3A_370 : i32 to index
              %swap3A_392 = arith.constant 32 : index
              %swap3A_393 = tpu.vector_load %arg11[%swap3A_391, %swap3A_392] {strides = array<i32>} : memref<128x128xf32, #tpu.memory_space<vmem>>, vector<16xf32>,
              tpu.vector_store %arg11[%swap3A_391, %swap3A_392], %mul3A_390 {strides = array<i32>} : memref<128x128xf32, #tpu.memory_space<vmem>>, vector<16xf32>,
              %get3A_394 = arith.index_cast %add3A_370 : i32 to index
              %get3A_395 = arith.constant 48 : index
              %get3A_396 = tpu.vector_load %arg11[%get3A_394, %get3A_395] {strides = array<i32>} : memref<128x128xf32, #tpu.memory_space<vmem>>, vector<16xf32>,
              %mul3A_397 = vector.broadcast %reduce_sum3A_361 : f32 to vector<16xf32>
              %mul3A_398 = arith.mulf %get3A_396, %mul3A_397 : vector<16xf32>
              %swap3A_399 = arith.index_cast %add3A_370 : i32 to index
              %swap3A_400 = arith.constant 48 : index
              %swap3A_401 = tpu.vector_load %arg11[%swap3A_399, %swap3A_400] {strides = array<i32>} : memref<128x128xf32, #tpu.memory_space<vmem>>, vector<16xf32>,
              tpu.vector_store %arg11[%swap3A_399, %swap3A_400], %mul3A_398 {strides = array<i32>} : memref<128x128xf32, #tpu.memory_space<vmem>>, vector<16xf32>,
              %get3A_402 = arith.index_cast %add3A_370 : i32 to index
              %get3A_403 = arith.constant 64 : index
              %get3A_404 = tpu.vector_load %arg11[%get3A_402, %get3A_403] {strides = array<i32>} : memref<128x128xf32, #tpu.memory_space<vmem>>, vector<16xf32>,
              %mul3A_405 = vector.broadcast %reduce_sum3A_361 : f32 to vector<16xf32>
              %mul3A_406 = arith.mulf %get3A_404, %mul3A_405 : vector<16xf32>
              %swap3A_407 = arith.index_cast %add3A_370 : i32 to index
              %swap3A_408 = arith.constant 64 : index
              %swap3A_409 = tpu.vector_load %arg11[%swap3A_407, %swap3A_408] {strides = array<i32>} : memref<128x128xf32, #tpu.memory_space<vmem>>, vector<16xf32>,
              tpu.vector_store %arg11[%swap3A_407, %swap3A_408], %mul3A_406 {strides = array<i32>} : memref<128x128xf32, #tpu.memory_space<vmem>>, vector<16xf32>,
              %get3A_410 = arith.index_cast %add3A_370 : i32 to index
              %get3A_411 = arith.constant 80 : index
              %get3A_412 = tpu.vector_load %arg11[%get3A_410, %get3A_411] {strides = array<i32>} : memref<128x128xf32, #tpu.memory_space<vmem>>, vector<16xf32>,
              %mul3A_413 = vector.broadcast %reduce_sum3A_361 : f32 to vector<16xf32>
              %mul3A_414 = arith.mulf %get3A_412, %mul3A_413 : vector<16xf32>
              %swap3A_415 = arith.index_cast %add3A_370 : i32 to index
              %swap3A_416 = arith.constant 80 : index
              %swap3A_417 = tpu.vector_load %arg11[%swap3A_415, %swap3A_416] {strides = array<i32>} : memref<128x128xf32, #tpu.memory_space<vmem>>, vector<16xf32>,
              tpu.vector_store %arg11[%swap3A_415, %swap3A_416], %mul3A_414 {strides = array<i32>} : memref<128x128xf32, #tpu.memory_space<vmem>>, vector<16xf32>,
              %get3A_418 = arith.index_cast %add3A_370 : i32 to index
              %get3A_419 = arith.constant 96 : index
              %get3A_420 = tpu.vector_load %arg11[%get3A_418, %get3A_419] {strides = array<i32>} : memref<128x128xf32, #tpu.memory_space<vmem>>, vector<16xf32>,
              %mul3A_421 = vector.broadcast %reduce_sum3A_361 : f32 to vector<16xf32>
              %mul3A_422 = arith.mulf %get3A_420, %mul3A_421 : vector<16xf32>
              %swap3A_423 = arith.index_cast %add3A_370 : i32 to index
              %swap3A_424 = arith.constant 96 : index
              %swap3A_425 = tpu.vector_load %arg11[%swap3A_423, %swap3A_424] {strides = array<i32>} : memref<128x128xf32, #tpu.memory_space<vmem>>, vector<16xf32>,
              tpu.vector_store %arg11[%swap3A_423, %swap3A_424], %mul3A_422 {strides = array<i32>} : memref<128x128xf32, #tpu.memory_space<vmem>>, vector<16xf32>,
              %get3A_426 = arith.index_cast %add3A_370 : i32 to index
              %get3A_427 = arith.constant 112 : index
              %get3A_428 = tpu.vector_load %arg11[%get3A_426, %get3A_427] {strides = array<i32>} : memref<128x128xf32, #tpu.memory_space<vmem>>, vector<16xf32>,
              %mul3A_429 = vector.broadcast %reduce_sum3A_361 : f32 to vector<16xf32>
              %mul3A_430 = arith.mulf %get3A_428, %mul3A_429 : vector<16xf32>
              %swap3A_431 = arith.index_cast %add3A_370 : i32 to index
              %swap3A_432 = arith.constant 112 : index
              %swap3A_433 = tpu.vector_load %arg11[%swap3A_431, %swap3A_432] {strides = array<i32>} : memref<128x128xf32, #tpu.memory_space<vmem>>, vector<16xf32>,
              tpu.vector_store %arg11[%swap3A_431, %swap3A_432], %mul3A_430 {strides = array<i32>} : memref<128x128xf32, #tpu.memory_space<vmem>>, vector<16xf32>,
            } else {
            }
            %scan3A_367 = arith.constant 0 : i32
            scf.yield %scan3A_367 : i32
          }
          %scan3A_351 = arith.constant 16 : i32
        } else {
        }
        %scan3A_344 = arith.constant 0 : i32
        scf.yield %scan3A_344 : i32
      }
      %scan3A_264 = arith.constant 8 : i32
      %dma_start3A_265 = arith.constant 0 : i32
      %dma_start3A_266 = arith.constant 0 : i32
      %dma_start3A_267 = tpu.memref_slice %arg5[%add3A, %add3A_234, %dma_start3A_265, %dma_start3A_266] : memref<32x50x128x128xf32, #tpu.memory_space<hbm>> -> memref<1x1x128x128xf32, #tpu.memory_space<hbm>>
      %dma_start3A_268 = tpu.memref_squeeze %dma_start3A_267 : memref<1x1x128x128xf32, #tpu.memory_space<hbm>> -> memref<128x128xf32, #tpu.memory_space<hbm>>
      %dma_start3A_269 = arith.constant 0 : i32
      %dma_start3A_270 = arith.constant 0 : i32
      %dma_start3A_271 = tpu.memref_slice %arg5[%add3A, %add3A_234, %dma_start3A_269, %dma_start3A_270] : memref<32x50x128x128xf32, #tpu.memory_space<hbm>> -> memref<1x1x128x128xf32, #tpu.memory_space<hbm>>
      %dma_start3A_272 = tpu.memref_squeeze %dma_start3A_271 : memref<1x1x128x128xf32, #tpu.memory_space<hbm>> -> memref<128x128xf32, #tpu.memory_space<hbm>>
      tpu.enqueue_dma source(%arg11 : memref<128x128xf32, #tpu.memory_space<vmem>>) target(%dma_start3A_272 : memref<128x128xf32, #tpu.memory_space<hbm>>) target_semaphore(%arg21 : memref<!tpu.dma_semaphore, #tpu.memory_space<semaphore_mem>>)
      %mul3A_273 = arith.constant 5 : i32
      %mul3A_274 = arith.muli %scan3A_108, %mul3A_273 : i32
      %add3A_275 = arith.constant 4 : i32
      %add3A_276 = arith.addi %mul3A_274, %add3A_275 : i32
      %ge3A_277 = arith.constant 3 : i32
      %ge3A_278 = arith.cmpi sge, %add3A_276, %ge3A_277 : i32
      %add3A_279 = arith.constant 2 : i32
      %add3A_280 = arith.addi %add3A_276, %add3A_279 : i32
      %lt3A_281 = arith.constant 50 : i32
      %lt3A_282 = arith.cmpi slt, %add3A_280, %lt3A_281 : i32
      %and3A_283 = arith.andi %ge3A_278, %lt3A_282 : i1
      %convert_element_type3A_284 = arith.extui %and3A_283 : i1 to i32
      %cond3A_285 = arith.constant 0 : i32
      %cond3A_286 = arith.cmpi ne, %convert_element_type3A_284, %cond3A_285 : i32
      scf.if %cond3A_286 {
        %add3A_316 = arith.constant 2 : i32
        %add3A_317 = arith.addi %add3A_276, %add3A_316 : i32
        %sub3A = arith.constant 5 : i32
        %sub3A_318 = arith.subi %add3A_317, %sub3A : i32
        %dma_wait3A_319 = arith.constant 0 : i32
        %dma_wait3A_320 = arith.constant 0 : i32
        %dma_wait3A_321 = tpu.memref_slice %arg5[%add3A, %sub3A_318, %dma_wait3A_319, %dma_wait3A_320] : memref<32x50x128x128xf32, #tpu.memory_space<hbm>> -> memref<1x1x128x128xf32, #tpu.memory_space<hbm>>
        %dma_wait3A_322 = tpu.memref_squeeze %dma_wait3A_321 : memref<1x1x128x128xf32, #tpu.memory_space<hbm>> -> memref<128x128xf32, #tpu.memory_space<hbm>>
        %dma_wait3A_323 = arith.constant 0 : i32
        %dma_wait3A_324 = arith.constant 0 : i32
        %dma_wait3A_325 = tpu.memref_slice %arg5[%add3A, %sub3A_318, %dma_wait3A_323, %dma_wait3A_324] : memref<32x50x128x128xf32, #tpu.memory_space<hbm>> -> memref<1x1x128x128xf32, #tpu.memory_space<hbm>>
        %dma_wait3A_326 = tpu.memref_squeeze %dma_wait3A_325 : memref<1x1x128x128xf32, #tpu.memory_space<hbm>> -> memref<128x128xf32, #tpu.memory_space<hbm>>
        tpu.wait_dma2 semaphore(%arg19 : memref<!tpu.dma_semaphore, #tpu.memory_space<semaphore_mem>>) src(%arg9 : memref<128x128xf32, #tpu.memory_space<vmem>>) dst(%dma_wait3A_326 : memref<128x128xf32, #tpu.memory_space<hbm>>)
      } else {
      }
      %add3A_287 = arith.constant 2 : i32
      %add3A_288 = arith.addi %add3A_276, %add3A_287 : i32
      %lt3A_289 = arith.constant 50 : i32
      %lt3A_290 = arith.cmpi slt, %add3A_288, %lt3A_289 : i32
      %convert_element_type3A_291 = arith.extui %lt3A_290 : i1 to i32
      %cond3A_292 = arith.constant 0 : i32
      %cond3A_293 = arith.cmpi ne, %convert_element_type3A_291, %cond3A_292 : i32
      scf.if %cond3A_293 {
        %add3A_316 = arith.constant 2 : i32
        %add3A_317 = arith.addi %add3A_276, %add3A_316 : i32
        %dma_start3A_318 = arith.constant 0 : i32
        %dma_start3A_319 = tpu.memref_slice %arg6[%add3A_317, %dma_start3A_318] : memref<50x128xi32, #tpu.memory_space<vmem>> -> memref<1x128xi32, #tpu.memory_space<vmem>>
        %dma_start3A_320 = tpu.memref_squeeze %dma_start3A_319 : memref<1x128xi32, #tpu.memory_space<vmem>> -> memref<128xi32, #tpu.memory_space<vmem>>
        %dma_start3A_321 = arith.constant 0 : i32
        %dma_start3A_322 = arith.constant 0 : i32
        %dma_start3A_323 = tpu.memref_slice %arg4[%dma_start3A_321, %dma_start3A_322] : memref<100000x128xf32, #tpu.memory_space<hbm>> -> memref<100000x128xf32, #tpu.memory_space<hbm>>
        tpu.enqueue_indirect_dma source(%dma_start3A_323 : memref<100000x128xf32, #tpu.memory_space<hbm>>) target(%arg9 : memref<128x128xf32, #tpu.memory_space<vmem>>) offsets(%dma_start3A_320 : memref<128xi32, #tpu.memory_space<vmem>>) semaphore(%arg14 : memref<!tpu.dma_semaphore, #tpu.memory_space<semaphore_mem>>)
      } else {
      }
      %dma_wait3A_294 = arith.constant 0 : i32
      %dma_wait3A_295 = tpu.memref_slice %arg6[%add3A_276, %dma_wait3A_294] : memref<50x128xi32, #tpu.memory_space<vmem>> -> memref<1x128xi32, #tpu.memory_space<vmem>>
      %dma_wait3A_296 = tpu.memref_squeeze %dma_wait3A_295 : memref<1x128xi32, #tpu.memory_space<vmem>> -> memref<128xi32, #tpu.memory_space<vmem>>
      %dma_wait3A_297 = arith.constant 0 : i32
      %dma_wait3A_298 = arith.constant 0 : i32
      %dma_wait3A_299 = tpu.memref_slice %arg4[%dma_wait3A_297, %dma_wait3A_298] : memref<100000x128xf32, #tpu.memory_space<hbm>> -> memref<100000x128xf32, #tpu.memory_space<hbm>>
      tpu.wait_indirect_dma semaphore(%arg17 : memref<!tpu.dma_semaphore, #tpu.memory_space<semaphore_mem>>) src(%dma_wait3A_299 : memref<100000x128xf32, #tpu.memory_space<hbm>>) dst(%arg12 : memref<128x128xf32, #tpu.memory_space<vmem>>)
      %scan3A_300 = arith.constant 0 : i32
      %scan3A_301 = arith.constant 0 : i32
      %scan3A_302 = arith.constant 8 : i32
      %scan3A_303 = arith.addi %scan3A_301, %scan3A_302 : i32
      %scan3A_304 = arith.constant 1 : i32
      %scan3A_305 = scf.for %scan3A_316 = %scan3A_301 to %scan3A_303 step %scan3A_304 iter_args(%scan3A_317 = %scan3A_300) -> (i32)  : i32 {
        %mul3A_318 = arith.constant 16 : i32
        %mul3A_319 = arith.muli %scan3A_316, %mul3A_318 : i32
        %get3A = arith.index_cast %add3A_276 : i32 to index
        %get3A_320 = arith.index_cast %mul3A_319 : i32 to index
        %get3A_321 = tpu.vector_load %arg6[%get3A, %get3A_320] {strides = array<i32>} : memref<50x128xi32, #tpu.memory_space<vmem>>, vector<16xi32>,
        %mul3A_322 = arith.constant 16 : i32
        %mul3A_323 = arith.muli %scan3A_316, %mul3A_322 : i32
        %get3A_324 = arith.index_cast %add3A_276 : i32 to index
        %get3A_325 = arith.index_cast %mul3A_323 : i32 to index
        %get3A_326 = tpu.vector_load %arg7[%get3A_324, %get3A_325] {strides = array<i32>} : memref<50x128xf32, #tpu.memory_space<vmem>>, vector<16xf32>,
        %eq3A = arith.constant 0 : i32
        %eq3A_327 = vector.broadcast %eq3A : i32 to vector<16xi32>
        %eq3A_328 = arith.cmpi eq, %get3A_321, %eq3A_327 : vector<16xi32>
        %jit3A = arith.constant 0.000000e+00 : f32
        %broadcast_in_dim3A = vector.broadcast %jit3A : f32 to vector<16xf32>
        %select_n3A = arith.select %eq3A_328, %broadcast_in_dim3A, %get3A_326 : vector<16xi1>, vector<16xf32>
        %ne3A = arith.constant 1.000000e+00 : f32
        %ne3A_329 = vector.broadcast %ne3A : f32 to vector<16xf32>
        %ne3A_330 = arith.cmpf one, %select_n3A, %ne3A_329 : vector<16xf32>
        %reduce_or3A = arith.constant 1.000000e+00 : f32
        %reduce_or3A_331 = arith.constant 0.000000e+00 : f32
        %reduce_or3A_332 = vector.broadcast %reduce_or3A : f32 to vector<16xf32>
        %reduce_or3A_333 = vector.broadcast %reduce_or3A_331 : f32 to vector<16xf32>
        %reduce_or3A_334 = arith.select %ne3A_330, %reduce_or3A_332, %reduce_or3A_333 : vector<16xi1>, vector<16xf32>
        %reduce_or3A_335 = arith.constant true
        %reduce_or3A_336 = vector.broadcast %reduce_or3A_335 : i1 to vector<16xi1>
        %reduce_or3A_337 = tpu.scan <max>, %reduce_or3A_334 masked %reduce_or3A_336 : vector<16xf32>, vector<16xi1> -> vector<16xf32>
        %reduce_or3A_338 = vector.extract %reduce_or3A_337[15] : f32 from vector<16xf32>
        %reduce_or3A_339 = arith.constant 0.000000e+00 : f32
        %reduce_or3A_340 = arith.cmpf ogt, %reduce_or3A_338, %reduce_or3A_339 : f32
        %convert_element_type3A_341 = arith.extui %reduce_or3A_340 : i1 to i32
        %cond3A_342 = arith.constant 0 : i32
        %cond3A_343 = arith.cmpi ne, %convert_element_type3A_341, %cond3A_342 : i32
        scf.if %cond3A_343 {
          %iota3A = tpu.iota {dimensions = array<i32: 0>} : vector<16xi32>
          %scan3A_345 = arith.constant 0 : i32
          %scan3A_346 = arith.constant 0 : i32
          %scan3A_347 = arith.constant 16 : i32
          %scan3A_348 = arith.addi %scan3A_346, %scan3A_347 : i32
          %scan3A_349 = arith.constant 1 : i32
          %scan3A_350 = scf.for %scan3A_352 = %scan3A_346 to %scan3A_348 step %scan3A_349 iter_args(%scan3A_353 = %scan3A_345) -> (i32)  : i32 {
            %eq3A_354 = vector.broadcast %scan3A_352 : i32 to vector<16xi32>
            %eq3A_355 = arith.cmpi eq, %iota3A, %eq3A_354 : vector<16xi32>
            %jit3A_356 = arith.constant 0.000000e+00 : f32
            %broadcast_in_dim3A_357 = vector.broadcast %jit3A_356 : f32 to vector<16xf32>
            %select_n3A_358 = arith.select %eq3A_355, %select_n3A, %broadcast_in_dim3A_357 : vector<16xi1>, vector<16xf32>
            %reduce_sum3A = arith.constant true
            %reduce_sum3A_359 = vector.broadcast %reduce_sum3A : i1 to vector<16xi1>
            %reduce_sum3A_360 = tpu.scan <sum>, %select_n3A_358 masked %reduce_sum3A_359 : vector<16xf32>, vector<16xi1> -> vector<16xf32>
            %reduce_sum3A_361 = vector.extract %reduce_sum3A_360[15] : f32 from vector<16xf32>
            %ne3A_362 = arith.constant 1.000000e+00 : f32
            %ne3A_363 = arith.cmpf one, %reduce_sum3A_361, %ne3A_362 : f32
            %convert_element_type3A_364 = arith.extui %ne3A_363 : i1 to i32
            %cond3A_365 = arith.constant 0 : i32
            %cond3A_366 = arith.cmpi ne, %convert_element_type3A_364, %cond3A_365 : i32
            scf.if %cond3A_366 {
              %mul3A_368 = arith.constant 16 : i32
              %mul3A_369 = arith.muli %scan3A_316, %mul3A_368 : i32
              %add3A_370 = arith.addi %mul3A_369, %scan3A_352 : i32
              %get3A_371 = arith.index_cast %add3A_370 : i32 to index
              %get3A_372 = arith.constant 0 : index
              %get3A_373 = tpu.vector_load %arg12[%get3A_371, %get3A_372] {strides = array<i32>} : memref<128x128xf32, #tpu.memory_space<vmem>>, vector<16xf32>,
              %mul3A_374 = vector.broadcast %reduce_sum3A_361 : f32 to vector<16xf32>
              %mul3A_375 = arith.mulf %get3A_373, %mul3A_374 : vector<16xf32>
              %swap3A = arith.index_cast %add3A_370 : i32 to index
              %swap3A_376 = arith.constant 0 : index
              %swap3A_377 = tpu.vector_load %arg12[%swap3A, %swap3A_376] {strides = array<i32>} : memref<128x128xf32, #tpu.memory_space<vmem>>, vector<16xf32>,
              tpu.vector_store %arg12[%swap3A, %swap3A_376], %mul3A_375 {strides = array<i32>} : memref<128x128xf32, #tpu.memory_space<vmem>>, vector<16xf32>,
              %get3A_378 = arith.index_cast %add3A_370 : i32 to index
              %get3A_379 = arith.constant 16 : index
              %get3A_380 = tpu.vector_load %arg12[%get3A_378, %get3A_379] {strides = array<i32>} : memref<128x128xf32, #tpu.memory_space<vmem>>, vector<16xf32>,
              %mul3A_381 = vector.broadcast %reduce_sum3A_361 : f32 to vector<16xf32>
              %mul3A_382 = arith.mulf %get3A_380, %mul3A_381 : vector<16xf32>
              %swap3A_383 = arith.index_cast %add3A_370 : i32 to index
              %swap3A_384 = arith.constant 16 : index
              %swap3A_385 = tpu.vector_load %arg12[%swap3A_383, %swap3A_384] {strides = array<i32>} : memref<128x128xf32, #tpu.memory_space<vmem>>, vector<16xf32>,
              tpu.vector_store %arg12[%swap3A_383, %swap3A_384], %mul3A_382 {strides = array<i32>} : memref<128x128xf32, #tpu.memory_space<vmem>>, vector<16xf32>,
              %get3A_386 = arith.index_cast %add3A_370 : i32 to index
              %get3A_387 = arith.constant 32 : index
              %get3A_388 = tpu.vector_load %arg12[%get3A_386, %get3A_387] {strides = array<i32>} : memref<128x128xf32, #tpu.memory_space<vmem>>, vector<16xf32>,
              %mul3A_389 = vector.broadcast %reduce_sum3A_361 : f32 to vector<16xf32>
              %mul3A_390 = arith.mulf %get3A_388, %mul3A_389 : vector<16xf32>
              %swap3A_391 = arith.index_cast %add3A_370 : i32 to index
              %swap3A_392 = arith.constant 32 : index
              %swap3A_393 = tpu.vector_load %arg12[%swap3A_391, %swap3A_392] {strides = array<i32>} : memref<128x128xf32, #tpu.memory_space<vmem>>, vector<16xf32>,
              tpu.vector_store %arg12[%swap3A_391, %swap3A_392], %mul3A_390 {strides = array<i32>} : memref<128x128xf32, #tpu.memory_space<vmem>>, vector<16xf32>,
              %get3A_394 = arith.index_cast %add3A_370 : i32 to index
              %get3A_395 = arith.constant 48 : index
              %get3A_396 = tpu.vector_load %arg12[%get3A_394, %get3A_395] {strides = array<i32>} : memref<128x128xf32, #tpu.memory_space<vmem>>, vector<16xf32>,
              %mul3A_397 = vector.broadcast %reduce_sum3A_361 : f32 to vector<16xf32>
              %mul3A_398 = arith.mulf %get3A_396, %mul3A_397 : vector<16xf32>
              %swap3A_399 = arith.index_cast %add3A_370 : i32 to index
              %swap3A_400 = arith.constant 48 : index
              %swap3A_401 = tpu.vector_load %arg12[%swap3A_399, %swap3A_400] {strides = array<i32>} : memref<128x128xf32, #tpu.memory_space<vmem>>, vector<16xf32>,
              tpu.vector_store %arg12[%swap3A_399, %swap3A_400], %mul3A_398 {strides = array<i32>} : memref<128x128xf32, #tpu.memory_space<vmem>>, vector<16xf32>,
              %get3A_402 = arith.index_cast %add3A_370 : i32 to index
              %get3A_403 = arith.constant 64 : index
              %get3A_404 = tpu.vector_load %arg12[%get3A_402, %get3A_403] {strides = array<i32>} : memref<128x128xf32, #tpu.memory_space<vmem>>, vector<16xf32>,
              %mul3A_405 = vector.broadcast %reduce_sum3A_361 : f32 to vector<16xf32>
              %mul3A_406 = arith.mulf %get3A_404, %mul3A_405 : vector<16xf32>
              %swap3A_407 = arith.index_cast %add3A_370 : i32 to index
              %swap3A_408 = arith.constant 64 : index
              %swap3A_409 = tpu.vector_load %arg12[%swap3A_407, %swap3A_408] {strides = array<i32>} : memref<128x128xf32, #tpu.memory_space<vmem>>, vector<16xf32>,
              tpu.vector_store %arg12[%swap3A_407, %swap3A_408], %mul3A_406 {strides = array<i32>} : memref<128x128xf32, #tpu.memory_space<vmem>>, vector<16xf32>,
              %get3A_410 = arith.index_cast %add3A_370 : i32 to index
              %get3A_411 = arith.constant 80 : index
              %get3A_412 = tpu.vector_load %arg12[%get3A_410, %get3A_411] {strides = array<i32>} : memref<128x128xf32, #tpu.memory_space<vmem>>, vector<16xf32>,
              %mul3A_413 = vector.broadcast %reduce_sum3A_361 : f32 to vector<16xf32>
              %mul3A_414 = arith.mulf %get3A_412, %mul3A_413 : vector<16xf32>
              %swap3A_415 = arith.index_cast %add3A_370 : i32 to index
              %swap3A_416 = arith.constant 80 : index
              %swap3A_417 = tpu.vector_load %arg12[%swap3A_415, %swap3A_416] {strides = array<i32>} : memref<128x128xf32, #tpu.memory_space<vmem>>, vector<16xf32>,
              tpu.vector_store %arg12[%swap3A_415, %swap3A_416], %mul3A_414 {strides = array<i32>} : memref<128x128xf32, #tpu.memory_space<vmem>>, vector<16xf32>,
              %get3A_418 = arith.index_cast %add3A_370 : i32 to index
              %get3A_419 = arith.constant 96 : index
              %get3A_420 = tpu.vector_load %arg12[%get3A_418, %get3A_419] {strides = array<i32>} : memref<128x128xf32, #tpu.memory_space<vmem>>, vector<16xf32>,
              %mul3A_421 = vector.broadcast %reduce_sum3A_361 : f32 to vector<16xf32>
              %mul3A_422 = arith.mulf %get3A_420, %mul3A_421 : vector<16xf32>
              %swap3A_423 = arith.index_cast %add3A_370 : i32 to index
              %swap3A_424 = arith.constant 96 : index
              %swap3A_425 = tpu.vector_load %arg12[%swap3A_423, %swap3A_424] {strides = array<i32>} : memref<128x128xf32, #tpu.memory_space<vmem>>, vector<16xf32>,
              tpu.vector_store %arg12[%swap3A_423, %swap3A_424], %mul3A_422 {strides = array<i32>} : memref<128x128xf32, #tpu.memory_space<vmem>>, vector<16xf32>,
              %get3A_426 = arith.index_cast %add3A_370 : i32 to index
              %get3A_427 = arith.constant 112 : index
              %get3A_428 = tpu.vector_load %arg12[%get3A_426, %get3A_427] {strides = array<i32>} : memref<128x128xf32, #tpu.memory_space<vmem>>, vector<16xf32>,
              %mul3A_429 = vector.broadcast %reduce_sum3A_361 : f32 to vector<16xf32>
              %mul3A_430 = arith.mulf %get3A_428, %mul3A_429 : vector<16xf32>
              %swap3A_431 = arith.index_cast %add3A_370 : i32 to index
              %swap3A_432 = arith.constant 112 : index
              %swap3A_433 = tpu.vector_load %arg12[%swap3A_431, %swap3A_432] {strides = array<i32>} : memref<128x128xf32, #tpu.memory_space<vmem>>, vector<16xf32>,
              tpu.vector_store %arg12[%swap3A_431, %swap3A_432], %mul3A_430 {strides = array<i32>} : memref<128x128xf32, #tpu.memory_space<vmem>>, vector<16xf32>,
            } else {
            }
            %scan3A_367 = arith.constant 0 : i32
            scf.yield %scan3A_367 : i32
          }
          %scan3A_351 = arith.constant 16 : i32
        } else {
        }
        %scan3A_344 = arith.constant 0 : i32
        scf.yield %scan3A_344 : i32
      }
      %scan3A_306 = arith.constant 8 : i32
      %dma_start3A_307 = arith.constant 0 : i32
      %dma_start3A_308 = arith.constant 0 : i32
      %dma_start3A_309 = tpu.memref_slice %arg5[%add3A, %add3A_276, %dma_start3A_307, %dma_start3A_308] : memref<32x50x128x128xf32, #tpu.memory_space<hbm>> -> memref<1x1x128x128xf32, #tpu.memory_space<hbm>>
      %dma_start3A_310 = tpu.memref_squeeze %dma_start3A_309 : memref<1x1x128x128xf32, #tpu.memory_space<hbm>> -> memref<128x128xf32, #tpu.memory_space<hbm>>
      %dma_start3A_311 = arith.constant 0 : i32
      %dma_start3A_312 = arith.constant 0 : i32
      %dma_start3A_313 = tpu.memref_slice %arg5[%add3A, %add3A_276, %dma_start3A_311, %dma_start3A_312] : memref<32x50x128x128xf32, #tpu.memory_space<hbm>> -> memref<1x1x128x128xf32, #tpu.memory_space<hbm>>
      %dma_start3A_314 = tpu.memref_squeeze %dma_start3A_313 : memref<1x1x128x128xf32, #tpu.memory_space<hbm>> -> memref<128x128xf32, #tpu.memory_space<hbm>>
      tpu.enqueue_dma source(%arg12 : memref<128x128xf32, #tpu.memory_space<vmem>>) target(%dma_start3A_314 : memref<128x128xf32, #tpu.memory_space<hbm>>) target_semaphore(%arg22 : memref<!tpu.dma_semaphore, #tpu.memory_space<semaphore_mem>>)
      %scan3A_315 = arith.constant 0 : i32
      scf.yield %scan3A_315 : i32
    }
    %scan3A_62 = arith.constant 10 : i32
    %dma_wait3A_63 = arith.constant 45 : i32
    %dma_wait3A_64 = arith.constant 0 : i32
    %dma_wait3A_65 = arith.constant 0 : i32
    %dma_wait3A_66 = tpu.memref_slice %arg5[%add3A, %dma_wait3A_63, %dma_wait3A_64, %dma_wait3A_65] : memref<32x50x128x128xf32, #tpu.memory_space<hbm>> -> memref<1x1x128x128xf32, #tpu.memory_space<hbm>>
    %dma_wait3A_67 = tpu.memref_squeeze %dma_wait3A_66 : memref<1x1x128x128xf32, #tpu.memory_space<hbm>> -> memref<128x128xf32, #tpu.memory_space<hbm>>
    %dma_wait3A_68 = arith.constant 0 : i32
    %dma_wait3A_69 = arith.constant 0 : i32
    %dma_wait3A_70 = tpu.memref_slice %arg5[%add3A, %dma_wait3A_63, %dma_wait3A_68, %dma_wait3A_69] : memref<32x50x128x128xf32, #tpu.memory_space<hbm>> -> memref<1x1x128x128xf32, #tpu.memory_space<hbm>>
    %dma_wait3A_71 = tpu.memref_squeeze %dma_wait3A_70 : memref<1x1x128x128xf32, #tpu.memory_space<hbm>> -> memref<128x128xf32, #tpu.memory_space<hbm>>
    tpu.wait_dma2 semaphore(%arg18 : memref<!tpu.dma_semaphore, #tpu.memory_space<semaphore_mem>>) src(%arg8 : memref<128x128xf32, #tpu.memory_space<vmem>>) dst(%dma_wait3A_71 : memref<128x128xf32, #tpu.memory_space<hbm>>)
    %dma_wait3A_72 = arith.constant 46 : i32
    %dma_wait3A_73 = arith.constant 0 : i32
    %dma_wait3A_74 = arith.constant 0 : i32
    %dma_wait3A_75 = tpu.memref_slice %arg5[%add3A, %dma_wait3A_72, %dma_wait3A_73, %dma_wait3A_74] : memref<32x50x128x128xf32, #tpu.memory_space<hbm>> -> memref<1x1x128x128xf32, #tpu.memory_space<hbm>>
    %dma_wait3A_76 = tpu.memref_squeeze %dma_wait3A_75 : memref<1x1x128x128xf32, #tpu.memory_space<hbm>> -> memref<128x128xf32, #tpu.memory_space<hbm>>
    %dma_wait3A_77 = arith.constant 0 : i32
    %dma_wait3A_78 = arith.constant 0 : i32
    %dma_wait3A_79 = tpu.memref_slice %arg5[%add3A, %dma_wait3A_72, %dma_wait3A_77, %dma_wait3A_78] : memref<32x50x128x128xf32, #tpu.memory_space<hbm>> -> memref<1x1x128x128xf32, #tpu.memory_space<hbm>>
    %dma_wait3A_80 = tpu.memref_squeeze %dma_wait3A_79 : memref<1x1x128x128xf32, #tpu.memory_space<hbm>> -> memref<128x128xf32, #tpu.memory_space<hbm>>
    tpu.wait_dma2 semaphore(%arg19 : memref<!tpu.dma_semaphore, #tpu.memory_space<semaphore_mem>>) src(%arg9 : memref<128x128xf32, #tpu.memory_space<vmem>>) dst(%dma_wait3A_80 : memref<128x128xf32, #tpu.memory_space<hbm>>)
    %dma_wait3A_81 = arith.constant 47 : i32
    %dma_wait3A_82 = arith.constant 0 : i32
    %dma_wait3A_83 = arith.constant 0 : i32
    %dma_wait3A_84 = tpu.memref_slice %arg5[%add3A, %dma_wait3A_81, %dma_wait3A_82, %dma_wait3A_83] : memref<32x50x128x128xf32, #tpu.memory_space<hbm>> -> memref<1x1x128x128xf32, #tpu.memory_space<hbm>>
    %dma_wait3A_85 = tpu.memref_squeeze %dma_wait3A_84 : memref<1x1x128x128xf32, #tpu.memory_space<hbm>> -> memref<128x128xf32, #tpu.memory_space<hbm>>
    %dma_wait3A_86 = arith.constant 0 : i32
    %dma_wait3A_87 = arith.constant 0 : i32
    %dma_wait3A_88 = tpu.memref_slice %arg5[%add3A, %dma_wait3A_81, %dma_wait3A_86, %dma_wait3A_87] : memref<32x50x128x128xf32, #tpu.memory_space<hbm>> -> memref<1x1x128x128xf32, #tpu.memory_space<hbm>>
    %dma_wait3A_89 = tpu.memref_squeeze %dma_wait3A_88 : memref<1x1x128x128xf32, #tpu.memory_space<hbm>> -> memref<128x128xf32, #tpu.memory_space<hbm>>
    tpu.wait_dma2 semaphore(%arg20 : memref<!tpu.dma_semaphore, #tpu.memory_space<semaphore_mem>>) src(%arg10 : memref<128x128xf32, #tpu.memory_space<vmem>>) dst(%dma_wait3A_89 : memref<128x128xf32, #tpu.memory_space<hbm>>)
    %dma_wait3A_90 = arith.constant 48 : i32
    %dma_wait3A_91 = arith.constant 0 : i32
    %dma_wait3A_92 = arith.constant 0 : i32
    %dma_wait3A_93 = tpu.memref_slice %arg5[%add3A, %dma_wait3A_90, %dma_wait3A_91, %dma_wait3A_92] : memref<32x50x128x128xf32, #tpu.memory_space<hbm>> -> memref<1x1x128x128xf32, #tpu.memory_space<hbm>>
    %dma_wait3A_94 = tpu.memref_squeeze %dma_wait3A_93 : memref<1x1x128x128xf32, #tpu.memory_space<hbm>> -> memref<128x128xf32, #tpu.memory_space<hbm>>
    %dma_wait3A_95 = arith.constant 0 : i32
    %dma_wait3A_96 = arith.constant 0 : i32
    %dma_wait3A_97 = tpu.memref_slice %arg5[%add3A, %dma_wait3A_90, %dma_wait3A_95, %dma_wait3A_96] : memref<32x50x128x128xf32, #tpu.memory_space<hbm>> -> memref<1x1x128x128xf32, #tpu.memory_space<hbm>>
    %dma_wait3A_98 = tpu.memref_squeeze %dma_wait3A_97 : memref<1x1x128x128xf32, #tpu.memory_space<hbm>> -> memref<128x128xf32, #tpu.memory_space<hbm>>
    tpu.wait_dma2 semaphore(%arg21 : memref<!tpu.dma_semaphore, #tpu.memory_space<semaphore_mem>>) src(%arg11 : memref<128x128xf32, #tpu.memory_space<vmem>>) dst(%dma_wait3A_98 : memref<128x128xf32, #tpu.memory_space<hbm>>)
    %dma_wait3A_99 = arith.constant 49 : i32
    %dma_wait3A_100 = arith.constant 0 : i32
    %dma_wait3A_101 = arith.constant 0 : i32
    %dma_wait3A_102 = tpu.memref_slice %arg5[%add3A, %dma_wait3A_99, %dma_wait3A_100, %dma_wait3A_101] : memref<32x50x128x128xf32, #tpu.memory_space<hbm>> -> memref<1x1x128x128xf32, #tpu.memory_space<hbm>>
    %dma_wait3A_103 = tpu.memref_squeeze %dma_wait3A_102 : memref<1x1x128x128xf32, #tpu.memory_space<hbm>> -> memref<128x128xf32, #tpu.memory_space<hbm>>
    %dma_wait3A_104 = arith.constant 0 : i32
    %dma_wait3A_105 = arith.constant 0 : i32
    %dma_wait3A_106 = tpu.memref_slice %arg5[%add3A, %dma_wait3A_99, %dma_wait3A_104, %dma_wait3A_105] : memref<32x50x128x128xf32, #tpu.memory_space<hbm>> -> memref<1x1x128x128xf32, #tpu.memory_space<hbm>>
    %dma_wait3A_107 = tpu.memref_squeeze %dma_wait3A_106 : memref<1x1x128x128xf32, #tpu.memory_space<hbm>> -> memref<128x128xf32, #tpu.memory_space<hbm>>
    tpu.wait_dma2 semaphore(%arg22 : memref<!tpu.dma_semaphore, #tpu.memory_space<semaphore_mem>>) src(%arg12 : memref<128x128xf32, #tpu.memory_space<vmem>>) dst(%dma_wait3A_107 : memref<128x128xf32, #tpu.memory_space<hbm>>)
    return
  }
}

</mosaic_0001>

<sc_bundles>
// kernel: kernel.3.cloned.1.call-start
scs
__scs_entry_jumppad:
0x0: {  	(pc) =	sbr.rel $0x88, $3  }
0x1: {  	(tag) =	ssettag $0x0;
	lr =	simm.s32 $0x1  }
0x2: {  	[smem:$0x3F9E] =	sst lr;
	_ =	strace $0xD0000000  }
0x3: {  	_ = 	snop  }
0x4: {  	_ = 	snop  }
0x5: {  	_ = 	snop  }
0x6: {  	_ = 	snop  }
0x7: {  	_ = 	snop  }
__scs_overlays_trampoline_lowered:
0x8: {  	[smem:$0x3FAD] =	sst s0  }
0x9: {  	[smem:$0x3FAE] =	sst s1  }
0xa: {  	[smem:$0x3FAF] =	sst s2  }
0xb: {  	[smem:$0x3FB0] =	sst s3  }
0xc: {  	[smem:$0x3FB1] =	sst s4  }
0xd: {  	[smem:$0x3FB2] =	sst s5  }
0xe: {  	[smem:$0x3FB3] =	sst s6  }
0xf: {  	[smem:$0x3FB4] =	sst s7  }
0x10: {  	[smem:$0x3FB5] =	sst s8  }
0x11: {  	[smem:$0x3FB6] =	sst s9;
	s0 =	simm.s32 @!p0 $0x0  }
0x12: {  	s1 =	sld [smem:$0x3F9C];
	s0 =	simm.s32 @p0 $0x1  }
0x13: {  	[smem:$0x3FB7] =	sst s0;
	s0 =	simm.s32 @!p1 $0x0  }
0x14: {  	s2 =	sld [smem:$0x3F9B];
	s0 =	simm.s32 @p1 $0x1  }
0x15: {  	[smem:$0x3FB8] =	sst s0;
	s0 =	simm.s32 @!p2 $0x0  }
0x16: {  	s3 =	sld [smem:$0x3FDB];
	s0 =	simm.s32 @p2 $0x1  }
0x17: {  	s4 =	simm.s32 $0x1BF5;
	[smem:$0x3FBA] =	sst s0  }
0x18: {  	s0 =	sld [smem:$0x3F9D];
	_ =	swait.ge [sflag:s4], $0x0  }
0x19: {  	s7 =	sld [smem:$0x3F9E]  }
0x1a: {  	s8 =	sadd.s32 $0xFFFFE003, lr  }
0x1b: {  	s9 =	sadd.s32 $0xFFFFFEF7, lr;
	s5 =	simm.s32 $0xFFFFFFFF;
	p2 =	slt.u32 s8, $0xFFFFF086  }
0x1c: {  	p1 =	slt.u32 s9, $0xF7A;
	s5 =	simm.s32 @!p2 $0x0  }
0x1d: {  	s5 =	simm.s32 @p1 $0x1;
	p0 =	seq.s32 s7, s2  }
0x1e: {  	s7 =	smul.u32 @!p0 $0xF7A, s2;
	p2 =	seq.s32 @!p0 s5, $0x0  }
0x1f: {  	s9 =	smul.u32 $0xF7A, s1;
	s8 =	simm.s32 @!p0 $0x1BF5;
	p2 =	por !p2, p0  }
0x20: {  	[sflag:s8] =	ssyncset.s32 @!p0 $0xFFFFF086;
	s6 =	sadd.s32 @!p0 s3, s7;
	s7 =	simm.s32 @!p0 $0x108  }
0x21: {  	s3 =	sadd.s32 s3, s9;
	s6 =	sadd.s32 @!p0 $0x88, s6;
	s7 =	simm.s32 @p2 $0x1082  }
0x22: {  	[simem:s7], [sflag:s8] =	dma.local @!p0 [hbm:s6], $0xF7A  }
0x23: {  	s9 =	sor.u32 $0xD0000000, s2;
	s6 =	simm.s32 $0x108;
	_ =	swait.ge @!p0 [sflag:s8], $0x0  }
0x24: {  	s3 =	sadd.s32 $0x88, s3;
	s6 =	simm.s32 @!p1 $0x1082;
	[sflag:s4] =	ssyncset.s32 $0xFFFFF086  }
0x25: {  	[simem:s6], [sflag:s4] =	dma.local [hbm:s3], $0xF7A  }
0x26: {  	[smem:$0x3F9E] =	sst s1;
	(tag) =	ssettag s2;
	_ =	strace s9  }
0x27: {  	s1 =	sld [smem:$0x3FAE]  }
0x28: {  	s2 =	sld [smem:$0x3FAF]  }
0x29: {  	s4 =	sld [smem:$0x3FB1]  }
0x2a: {  	p0 =	seq.s32 s5, $0x0;
	s5 =	sld [smem:$0x3FB2]  }
0x2b: {  	s6 =	sld [smem:$0x3FB3]  }
0x2c: {  	s7 =	sld [smem:$0x3FB4]  }
0x2d: {  	s3 =	simm.s32 $0x108;
	s8 =	sld [smem:$0x3FB5]  }
0x2e: {  	s3 =	simm.s32 @!p0 $0x1082;
	s9 =	sld [smem:$0x3FB6]  }
0x2f: {  	lr =	sadd.s32 s0, s3;
	s0 =	sld [smem:$0x3FAD]  }
0x30: {  	s3 =	sld [smem:$0x3FB0]  }
0x31: {  	[smem:$0x3FB9] =	sst s10  }
0x32: {  	s10 =	sld [smem:$0x3FB7];
	_ =	sdelay $0x3  }
0x33: {  	p0 =	seq.s32 s10, $0x1;
	s10 =	sld [smem:$0x3FB9];
	_ =	sdelay $0x3  }
0x34: {  	[smem:$0x3FB9] =	sst s10  }
0x35: {  	s10 =	sld [smem:$0x3FB8];
	_ =	sdelay $0x3  }
0x36: {  	p1 =	seq.s32 s10, $0x1;
	s10 =	sld [smem:$0x3FB9];
	_ =	sdelay $0x3  }
0x37: {  	[smem:$0x3FB9] =	sst s10  }
0x38: {  	s10 =	sld [smem:$0x3FBA]  }
0x39: {  	_ = 	snop;
	(pc) =	sbr.ind lr, $3  }
0x3a: {  	_ = 	snop  }
0x3b: {  	_ = 	snop  }
0x3c: {  	p2 =	seq.s32 s10, $0x1;
	s10 =	sld [smem:$0x3FB9]  }
0x3d: {  	_ =	shalt  }
0x3e: {  	_ =	shalt  }
0x3f: {  	_ =	shalt  }
0x40: {  	_ =	shalt  }
0x41: {  	_ =	shalt  }
0x42: {  	_ =	shalt  }
0x43: {  	_ =	shalt  }
0x44: {  	_ =	shalt  }
0x45: {  	_ =	shalt  }
0x46: {  	_ =	shalt  }
0x47: {  	_ =	shalt  }
0x48: {  	_ =	shalt  }
0x49: {  	_ =	shalt  }
0x4a: {  	_ =	shalt  }
0x4b: {  	_ =	shalt  }
0x4c: {  	_ =	shalt  }
0x4d: {  	_ =	shalt  }
0x4e: {  	_ =	shalt  }
0x4f: {  	_ =	shalt  }
0x50: {  	_ =	shalt  }
0x51: {  	_ =	shalt  }
0x52: {  	_ =	shalt  }
0x53: {  	_ =	shalt  }
0x54: {  	_ =	shalt  }
0x55: {  	_ =	shalt  }
0x56: {  	_ =	shalt  }
0x57: {  	_ =	shalt  }
0x58: {  	_ =	shalt  }
0x59: {  	_ =	shalt  }
0x5a: {  	_ =	shalt  }
0x5b: {  	_ =	shalt  }
0x5c: {  	_ =	shalt  }
0x5d: {  	_ =	shalt  }
0x5e: {  	_ =	shalt  }
0x5f: {  	_ =	shalt  }
0x60: {  	_ =	shalt  }
0x61: {  	_ =	shalt  }
0x62: {  	_ =	shalt  }
0x63: {  	_ =	shalt  }
0x64: {  	_ =	shalt  }
0x65: {  	_ =	shalt  }
0x66: {  	_ =	shalt  }
0x67: {  	_ =	shalt  }
0x68: {  	_ =	shalt  }
0x69: {  	_ =	shalt  }
0x6a: {  	_ =	shalt  }
0x6b: {  	_ =	shalt  }
0x6c: {  	_ =	shalt  }
0x6d: {  	_ =	shalt  }
0x6e: {  	_ =	shalt  }
0x6f: {  	_ =	shalt  }
0x70: {  	_ =	shalt  }
0x71: {  	_ =	shalt  }
0x72: {  	_ =	shalt  }
0x73: {  	_ =	shalt  }
0x74: {  	_ =	shalt  }
0x75: {  	_ =	shalt  }
0x76: {  	_ =	shalt  }
0x77: {  	_ =	shalt  }
0x78: {  	_ =	shalt  }
0x79: {  	_ =	shalt  }
0x7a: {  	_ =	shalt  }
0x7b: {  	_ =	shalt  }
0x7c: {  	_ =	shalt  }
0x7d: {  	_ =	shalt  }
0x7e: {  	_ =	shalt  }
0x7f: {  	_ =	shalt  }
0x80: {  	_ =	shalt  }
0x81: {  	_ =	shalt  }
0x82: {  	_ =	shalt  }
0x83: {  	_ =	shalt  }
0x84: {  	_ =	shalt  }
0x85: {  	_ =	shalt  }
0x86: {  	_ =	shalt  }
0x87: {  	_ =	shalt  }
.Lfunc_end0:
.L_simem_size_0:
called_computation_lowered:
.L_overlay_start_0:
0x88: {  	s2 =	sld [smem:$0x3FD9]  }
0x89: {  	s3 =	sld [smem:$0x3FFE];
	_ =	sdelay $0x1  }
0x8a: {  	s1 =	srdreg.scid  }
0x8b: {  	s0 =	sand.u32 $0x1, s1  }
0x8c: {  	s17 =	sshll.u32 s0, $0xA;
	s2 =	sadd.s32 s3, s2  }
0x8d: {  	s2 =	sadd.s32 s2, s17  }
0x8e: {  	[smem:$0x3FC5] =	sst s2  }
0x8f: {  	_ = 	snop  }
0x90: {  	s2 =	sld [smem:$0x3FC7]  }
0x91: {  	s18 =	sld [smem:$0x3FD0];
	(tm) =	ssettm $0x1  }
0x92: {  	s4 =	sld [smem:$0x3FFB];
	_ =	sdelay $0x3  }
0x93: {  	_ =	strace s4  }
0x94: {  	s4 =	sld [smem:$0x3FFC];
	_ =	sdelay $0x3  }
0x95: {  	_ =	strace s4  }
0x96: {  	s4 =	sld [smem:$0x3FFD];
	_ =	sdelay $0x3  }
0x97: {  	_ =	strace s4  }
0x98: {  	_ =	strace $0x8FFFFFFF  }
0x99: {  	s19 =	sld [smem:$0x3FDB];
	_ =	sdelay $0x1  }
0x9a: {  	s5 =	simm.s32 $_scs_section_size  }
0x9b: {  	s6 =	simm.s32 $_size__tile_overlayer_lowered;
	s7 =	simm.s32 $_tile_overlayer_lowered  }
0x9c: {  	s22 =	simm.s32 $0x1BFF;
	s21 =	sshll.u32 s7, $0x1;
	s4 =	sadd.s32 s5, s19  }
0x9d: {  	s8 =	simm.s32 $0x0;
	s20 =	sshll.u32 s6, $0x1;
	s6 =	sadd.s32 s21, s4  }
0x9e: {  	[timem:s8], [sflag:s22] =	dma.local [hbm:s6], s20  }
0x9f: {  	_ =	swait.ge [sflag:s22], s20  }
0xa0: {  	s5 =	ssub.s32 $0x0, s20;
	[sflag:s22] =	ssyncset.done $0x0  }
0xa1: {  	[sflag:s22] =	ssyncadd.s32 s5;
	_ =	sdelay $0x1  }
0xa2: {  	s23 =	simm.s32 $0x1B8B  }
0xa3: {  	_ =	swait.ge [sflag:s23], $0x1  }
0xa4: {  	[sflag:s23] =	ssyncset.done $0x0  }
0xa5: {  	s25 =	simm.s32 $0x1B8E;
	s24 =	sld [smem:$0x3FFE];
	[sflag:s23] =	ssyncadd.s32 $0xFFFFFFFF  }
0xa6: {  	s26 =	simm.s32 $execute0_lowered;
	[smem:$0x3FD2] =	sst s25  }
0xa7: {  	s6 =	sshll.u32 s26, $0x1;
	_ =	strace $0x80000046;
	[dreg:$0x1] =	wrdreg $0xFFFFFFFF  }
0xa8: {  	s28 =	simm.s32 $_size_execute0_lowered;
	s4 =	sadd.s32 s4, s6;
	[dreg:$0x0] =	wrdreg $0x0  }
0xa9: {  	s6 =	sshll.u32 s28, $0x1;
	[dreg:$0x2] =	wrdreg s4  }
0xaa: {  	[dreg:$0x3] =	wrdreg s6  }
0xab: {  	[dreg:$0x4] =	wrdreg $0xC0  }
0xac: {  	_ =	task [dreg:s8], $0x5FFFF  }
0xad: {  	[dreg:$0x1] =	wrdreg $0xFFFFFFFF  }
0xae: {  	[dreg:$0x0] =	wrdreg $0x60  }
0xaf: {  	[dreg:$0x2] =	wrdreg s24  }
0xb0: {  	[dreg:$0x3] =	wrdreg s2  }
0xb1: {  	[dreg:$0x4] =	wrdreg s18  }
0xb2: {  	[dreg:$0x5] =	wrdreg $0x9  }
0xb3: {  	_ =	task.clear_ibuf [dreg:s8], $0x6FFFF;
	_ =	strace $0x90000046  }
0xb4: {  	s29 =	simm.s32 $0x9;
	_ =	strace $0x80000048  }
0xb5: {  	_ =	swait.ge [sflag:s29], $0x1  }
0xb6: {  	[sflag:s29] =	ssyncadd.s32 $0xFFFFFFFF  }
0xb7: {  	_ =	strace $0x90000048  }
0xb8: {  	_ =	sfence  }
0xb9: {  	s30 =	sld [smem:$0x0];
	_ =	sdelay $0x2  }
0xba: {  	s31 =	sshll.u32 s1, $0xD;
	s1 =	sshrl.u32 s1, $0x2  }
0xbb: {  	s3 =	sand.u32 $0x4000, s31;
	s1 =	sadd.s32 s1, s30  }
0xbc: {  	s0 =	sor.u32 s3, s0;
	s1 =	sshll.u32 s1, $0x11  }
0xbd: {  	s0 =	sor.u32 s1, s0  }
0xbe: {  	s0 =	sadd.s32 $0x8F2B, s0  }
0xbf: {  	[sflag:s0] =	ssyncadd.remote.s32 $0x1  }
0xc0: {  	_ =	sfence.sel $0xFFFF  }
0xc1: {  	[dreg:$0x0] =	wrdreg $0xFFFFFFFF;
	(pc) =	sbr.abs _section_cstart, $3  }
0xc2: {  	[dreg:$0x1] =	wrdreg $0xFFFFFFFF  }
0xc3: {  	_ =	task.clear_ibuf [dreg:s8], $0x2FFFF;
	_ =	strace $0x9FFFFFFF  }
0xc4: {  	(tm) =	ssettm $0x7FFFFFFF  }
0xc5: {  	_ =	shalt  }
tec
execute0_lowered:
.L_overlay_start_1:
0x0: {  	(tag) =	ssettag $0x1  }
0x1: {  	s0 =	srdreg.scid  }
0x2: {  	s2 =	stileid.u32;
	s1 =	rddreg [dreg:$0x0];
	s4 =	simm.s32 $0x0  }
0x3: {  	s13 =	simm.s32 $0x80;
	s14 =	simm.s32 $0x3800;
	s15 =	simm.s32 $0x7800  }
0x4: {  	s18 =	simm.s32 $0xB800;
	s19 =	simm.s32 $0x1;
	s20 =	simm.s32 $0xF800  }
0x5: {  	s21 =	simm.s32 $0x2;
	s0 =	sand.u32 $0x1, s0;
	s3 =	sshll.u32 s2, $0x1  }
0x6: {  	s22 =	simm.s32 $0x13800;
	s23 =	simm.s32 $0x3;
	s5 =	sor.u32 s0, s3  }
0x7: {  	s2 =	rddreg [dreg:$0x1];
	s0 =	ssub.s32 $0x2, s0;
	s6 =	smul.u32 $0x1C00, s5  }
0x8: {  	s24 =	simm.s32 $0x4;
	[smem:$0x7FF] =	sst s4;
	s7 =	sshrl.u32 s0, $0x1  }
0x9: {  	s3 =	rddreg [dreg:$0x2];
	s0 =	ssub.s32 s0, s7;
	s6 =	sshrl.u32 s6, $0x3  }
.Ltmp0:
0xa: {  	s0 =	smax.u32 s0, $0x1;
	s1 =	sadd.s32 s6, s1;
	(pc) =	sbr.rel .LBB2_1-.Ltmp0, $4  }
0xb: {  	_ =	strace $0x80000047;
	[dreg:$0x7] =	wrdreg s0;
	s6 =	sadd.s32 $0x400, s1  }
0xc: {  	s25 =	simm.s32 $0x5;
	s30 =	sadd.s32 $0x480, s1;
	[dreg:$0x4] =	wrdreg s6  }
0xd: {  	s31 =	simm.s32 $0xA;
	s1 =	sadd.s32 $0x7400, s1;
	[dreg:$0x5] =	wrdreg s30  }
0xe: {  	v0 =	vimm.f32 $0.0e+00;
	v1 =	vlaneseq.u32;
	s8 =	smul.u32 $0xC8000, s5;
	[dreg:$0x6] =	wrdreg s1;
	s1 =	simm.s32 $0x0  }
.LBB2_33:
0xf: {  	s0 =	simm.s32 $0x6  }
0x10: {  	_ =	swait.ge [sflag:s0], $0x4000  }
0x11: {  	[sflag:s0] =	ssyncset.done $0x0  }
0x12: {  	s26 =	simm.s32 $0x7;
	[sflag:s0] =	ssyncadd.s32 $0xFFFFC000  }
0x13: {  	_ =	swait.ge [sflag:s26], $0x4000  }
0x14: {  	[sflag:s26] =	ssyncset.done $0x0  }
0x15: {  	s28 =	simm.s32 $0x8;
	[sflag:s26] =	ssyncadd.s32 $0xFFFFC000  }
0x16: {  	_ =	swait.ge [sflag:s28], $0x4000  }
0x17: {  	[sflag:s28] =	ssyncset.done $0x0  }
0x18: {  	s29 =	simm.s32 $0x9;
	[sflag:s28] =	ssyncadd.s32 $0xFFFFC000  }
0x19: {  	_ =	swait.ge [sflag:s29], $0x4000  }
0x1a: {  	[sflag:s29] =	ssyncset.done $0x0  }
0x1b: {  	[sflag:s29] =	ssyncadd.s32 $0xFFFFC000  }
0x1c: {  	_ =	swait.ge [sflag:s31], $0x4000  }
0x1d: {  	s1 =	sadd.s32 $0x1, s1;
	s30 =	rddreg [dreg:$0x7]  }
0x1e: {  	p0 =	sne.s32 s1, s30  }
.Ltmp1:
0x1f: {  	_ = 	snop;
	(pc) =	sbr.rel @!p0 .LBB2_34-.Ltmp1, $3  }
0x20: {  	_ =	sdelay $0x1  }
0x21: {  	[sflag:s31] =	ssyncset.done $0x0  }
0x22: {  	[sflag:s31] =	ssyncadd.s32 $0xFFFFC000  }
.LBB2_1:
0x23: {  	s0 =	rddreg [dreg:$0x4];
	s16 =	simm.s32 $0xD  }
0x24: {  	[tilespmem:s4], [sflag:$0xD] =	stream.linear.gather [hbm4b:s0+s4], $0x400, $0x38;
	[tilespmem:$0x17800] =	vst v63  }
0x25: {  	_ =	swait.ge [sflag:s16], $0x400  }
0x26: {  	[sflag:s16] =	ssyncset.done $0x0  }
0x27: {  	s5 =	simm.s32 $0x400;
	s17 =	rddreg [dreg:$0x5];
	[sflag:s16] =	ssyncadd.s32 $0xFFFFFC00  }
0x28: {  	[tilespmem:s5], [sflag:$0xC] =	stream.linear.gather [hbm4b:s17+s4], $0x1500, $0x38;
	[tilespmem:$0x17800] =	vst v63  }
0x29: {  	s28 =	simm.s32 $0x1C00;
	s26 =	rddreg [dreg:$0x6]  }
0x2a: {  	[tilespmem:s28], [sflag:$0xB] =	stream.linear.gather [hbm4b:s26+s4], $0x1900, $0x38;
	[tilespmem:$0x17800] =	vst v63  }
0x2b: {  	_ = 	snop  }
0x2c: {  	[tilespmem:s14], [sflag:$0x1] =	stream.indirect.gather [hbm4b:s2+s13], $0x80, s4, s13, $0xb8;
	[tilespmem:$0x17800] =	vst v63  }
0x2d: {  	s29 =	simm.s32 $0xC  }
0x2e: {  	[tilespmem:s15], [sflag:$0x2] =	stream.indirect.gather [hbm4b:s2+s13], $0x80, s13, s13, $0xb8;
	[tilespmem:$0x17800] =	vst v63  }
0x2f: {  	_ =	swait.ge [sflag:s29], $0x1500  }
.Ltmp2:
0x30: {  	[sflag:s29] =	ssyncset.done $0x0;
	(pc) =	sbr.rel .LBB2_2-.Ltmp2, $4  }
0x31: {  	s30 =	simm.s32 $0xB;
	[sflag:s29] =	ssyncadd.s32 $0xFFFFEB00  }
0x32: {  	_ =	swait.ge [sflag:s30], $0x1900  }
0x33: {  	[sflag:s30] =	ssyncset.done $0x0  }
0x34: {  	s0 =	simm.s32 $0x0;
	[sflag:s30] =	ssyncadd.s32 $0xFFFFE700  }
.LBB2_32:
0x35: {  	s0 =	sadd.s32 $0x1, s0  }
0x36: {  	p0 =	sne.s32 s0, $0xA  }
.Ltmp3:
0x37: {  	s5 =	sshll.u32 s5, $0xE;
	(pc) =	sbr.rel @!p0 .LBB2_33-.Ltmp3, $4  }
0x38: {  	s5 =	sadd.s32 s8, s5  }
0x39: {  	s5 =	sshrl.u32 s5, $0x3  }
0x3a: {  	s5 =	sadd.s32 s3, s5  }
0x3b: {  	[hbm4b:s5+s4] =	stream.linear.scatter [tilespmem:s22], [sflag:$0xA], $0x4000, $0x38;
	[tilespmem:$0x17800] =	vst v63  }
.LBB2_2:
0x3c: {  	s5 =	smul.u32 $0x5, s0;
	p0 =	seq.s32 s0, $0x0  }
0x3d: {  	s6 =	simm.s32 @!p0 $0x8  }
0x3e: {  	s12 =	sadd.s32 $0x2, s5;
	_ =	swait.ge @!p0 [sflag:s6], $0x4000  }
0x3f: {  	[sflag:s6] =	ssyncset.done @!p0 $0x0;
	s7 =	sshll.u32 s12, $0x7  }
.Ltmp4:
0x40: {  	[sflag:s6] =	ssyncadd.s32 @!p0 $0xFFFFC000;
	s30 =	sand.u32 $0x3FFFFF80, s7;
	(pc) =	sbr.rel .LBB2_3-.Ltmp4, $4  }
0x41: {  	[tilespmem:s18], [sflag:$0x3] =	stream.indirect.gather [hbm4b:s2+s13], $0x80, s30, s13, $0xb8;
	[tilespmem:$0x17800] =	vst v63  }
0x42: {  	s10 =	smul.u32 $0x280, s0;
	_ =	swait.ge [sflag:s19], $0x4000  }
0x43: {  	s9 =	simm.s32 $0x3840;
	[sflag:s19] =	ssyncset.done $0x0  }
0x44: {  	v2 =	vmov s10;
	s10 =	simm.s32 $0x0;
	s6 =	simm.s32 $0x0;
	[sflag:s19] =	ssyncadd.s32 $0xFFFFC000  }
.LBB2_6:
0x45: {  	[tilespmem:s17+$0xFFFFFFF0] =	vst @!p2 v14;
	p4 =	por p1, p1;
	p3 =	por p5, p3;
	v3 =	vmul.f32 @!p1 v10, v7  }
0x46: {  	s16 =	sadd.s32 $0x80, s11;
	[tilespmem:s11+$0xFFFFFFC0] =	vst @!p4 v13;
	p2 =	por !p3, !p3;
	v10 =	vld @!p4 [tilespmem:s11+$0xFFFFFFF0];
	v8 =	vmul.f32 @!p4 v8, v7  }
0x47: {  	v13 =	vld @!p2 [tilespmem:s16+$0xFFFFFFC0];
	[tilespmem:s11+$0xFFFFFFD0] =	vst @!p4 v3  }
0x48: {  	v3 =	vld @!p2 [tilespmem:s16+$0xFFFFFFD0];
	[tilespmem:s11+$0xFFFFFFE0] =	vst @!p4 v8  }
0x49: {  	v8 =	vld @!p2 [tilespmem:s16+$0xFFFFFFE0]  }
0x4a: {  	v9 =	vmul.f32 @!p4 v9, v7  }
0x4b: {  	v11 =	vmul.f32 @!p4 v11, v7  }
0x4c: {  	v14 =	vld @!p1 [tilespmem:s11+$0x30];
	s28 =	spop (v2sf);
	v12 =	vmul.f32 @!p4 v12, v7;
	v5 =	vbroadcast @!p2 v5, $0xF;
	[tilespmem:s11+$0x0] =	vst @!p4 v9  }
0x4d: {  	p5 =	slt.f32 s28, $1.000000000e+00;
	p6 =	sgt.f32 s28, $1.000000000e+00;
	p3 =	por p2, p2;
	v9 =	vld @!p2 [tilespmem:s16+$0x0];
	[tilespmem:s11+$0x10] =	vst @!p4 v11;
	v10 =	vmul.f32 @!p4 v10, v7  }
0x4e: {  	v11 =	vld @!p2 [tilespmem:s16+$0x10];
	[tilespmem:s11+$0x20] =	vst @!p4 v12;
	v12 =	vmul.f32 @!p2 v13, v5;
	v8 =	vmul.f32 @!p3 v8, v5  }
0x4f: {  	p1 =	por p6, p5;
	v13 =	vld @!p2 [tilespmem:s16+$0x20];
	[tilespmem:s11+$0xFFFFFFF0] =	vst @!p4 v10;
	v3 =	vmul.f32 @!p2 v3, v5  }
0x50: {  	s17 =	sadd.s32 $0x80, s16;
	p1 =	por !p1, !p1;
	[tilespmem:s16+$0xFFFFFFC0] =	vst @!p3 v12  }
0x51: {  	v10 =	vld @!p1 [tilespmem:s17+$0xFFFFFFC0];
	[tilespmem:s16+$0xFFFFFFD0] =	vst @!p3 v3  }
0x52: {  	v3 =	vmul.f32 @!p4 v14, v7;
	v7 =	vld @!p1 [tilespmem:s17+$0xFFFFFFD0];
	[tilespmem:s16+$0xFFFFFFE0] =	vst @!p3 v8;
	v8, _, _ =	vpop (xrf2)  }
0x53: {  	(v2sf) =	vpush v8, $0xF;
	_ =	sdelay $0x2  }
0x54: {  	v12 =	vld @!p3 [tilespmem:s16+$0xFFFFFFF0]  }
0x55: {  	v9 =	vmul.f32 @!p3 v9, v5;
	[tilespmem:s11+$0x30] =	vst @!p4 v3  }
0x56: {  	v11 =	vmul.f32 @!p3 v11, v5;
	v14 =	vld @!p2 [tilespmem:s16+$0x30]  }
0x57: {  	v3 =	vld @!p1 [tilespmem:s17+$0xFFFFFFE0];
	[tilespmem:s16+$0x0] =	vst @!p3 v9  }
0x58: {  	v6 =	vbroadcast @!p1 v6, $0xF;
	s29 =	spop (v2sf);
	v13 =	vmul.f32 @!p3 v13, v5;
	v9 =	vld @!p1 [tilespmem:s17+$0x0];
	[tilespmem:s16+$0x10] =	vst @!p3 v11  }
0x59: {  	p5 =	slt.f32 s29, $1.000000000e+00;
	p6 =	sgt.f32 s29, $1.000000000e+00;
	v12 =	vmul.f32 @!p3 v12, v5;
	v11 =	vld @!p1 [tilespmem:s17+$0x10]  }
0x5a: {  	[tilespmem:s16+$0x20] =	vst @!p3 v13;
	v10 =	vmul.f32 @!p1 v10, v6  }
0x5b: {  	p4 =	por p6, p5;
	p2 =	por p1, p1;
	v13 =	vld @!p1 [tilespmem:s17+$0x20];
	[tilespmem:s16+$0xFFFFFFF0] =	vst @!p3 v12;
	v5 =	vmul.f32 @!p3 v14, v5  }
0x5c: {  	s11 =	sadd.s32 $0x80, s17;
	p4 =	por !p4, !p4;
	v7 =	vmul.f32 @!p1 v7, v6;
	[tilespmem:s17+$0xFFFFFFC0] =	vst @!p2 v10;
	v12 =	vld @!p2 [tilespmem:s17+$0xFFFFFFF0]  }
0x5d: {  	v3 =	vmul.f32 @!p2 v3, v6;
	v10 =	vld @!p4 [tilespmem:s11+$0xFFFFFFC0];
	[tilespmem:s16+$0x30] =	vst @!p3 v5  }
0x5e: {  	[tilespmem:s17+$0xFFFFFFD0] =	vst @!p2 v7;
	v9 =	vmul.f32 @!p2 v9, v6;
	v5 =	vmul.f32 @!p2 v11, v6;
	v11 =	vld @!p1 [tilespmem:s17+$0x30]  }
0x5f: {  	v7 =	vld @!p4 [tilespmem:s11+$0xFFFFFFD0];
	[tilespmem:s17+$0xFFFFFFE0] =	vst @!p2 v3  }
0x60: {  	v4 =	vbroadcast @!p4 v4, $0xF;
	v3 =	vld @!p4 [tilespmem:s11+$0xFFFFFFE0];
	[tilespmem:s17+$0x0] =	vst @!p2 v9;
	v13 =	vmul.f32 @!p2 v13, v6;
	s30 =	spop (v2sf)  }
0x61: {  	v9 =	vld @!p4 [tilespmem:s11+$0x0];
	[tilespmem:s17+$0x10] =	vst @!p2 v5;
	v12 =	vmul.f32 @!p2 v12, v6;
	p5 =	slt.f32 s30, $1.000000000e+00;
	p6 =	sgt.f32 s30, $1.000000000e+00  }
0x62: {  	v5 =	vld @!p4 [tilespmem:s11+$0x10];
	[tilespmem:s17+$0x20] =	vst @!p2 v13;
	v10 =	vmul.f32 @!p4 v10, v4  }
0x63: {  	p1 =	por p4, p4;
	v13 =	vld @!p4 [tilespmem:s11+$0x20];
	[tilespmem:s17+$0xFFFFFFF0] =	vst @!p2 v12;
	v6 =	vmul.f32 @!p2 v11, v6;
	p3 =	por p6, p5  }
0x64: {  	s16 =	sadd.s32 $0x80, s11;
	v7 =	vmul.f32 @!p4 v7, v4;
	[tilespmem:s11+$0xFFFFFFC0] =	vst @!p1 v10;
	p3 =	por !p3, !p3  }
0x65: {  	[tilespmem:s17+$0x30] =	vst @!p2 v6;
	v10 =	vld @!p3 [tilespmem:s16+$0xFFFFFFC0]  }
0x66: {  	[tilespmem:s11+$0xFFFFFFD0] =	vst @!p1 v7;
	v7 =	vld @!p4 [tilespmem:s11+$0x30]  }
0x67: {  	v3 =	vmul.f32 @!p1 v3, v4;
	v11 =	vld @!p1 [tilespmem:s11+$0xFFFFFFF0]  }
0x68: {  	v9 =	vmul.f32 @!p1 v9, v4  }
0x69: {  	v5 =	vmul.f32 @!p1 v5, v4;
	v6 =	vld @!p3 [tilespmem:s16+$0xFFFFFFD0];
	[tilespmem:s11+$0xFFFFFFE0] =	vst @!p1 v3  }
0x6a: {  	v12 =	vmul.f32 @!p1 v13, v4;
	v3 =	vld @!p3 [tilespmem:s16+$0xFFFFFFE0];
	[tilespmem:s11+$0x0] =	vst @!p1 v9  }
0x6b: {  	v8 =	vbroadcast @!p3 v8, $0xF;
	v9 =	vld @!p3 [tilespmem:s16+$0x0];
	[tilespmem:s11+$0x10] =	vst @!p1 v5;
	v7 =	vmul.f32 @!p1 v7, v4  }
0x6c: {  	v5 =	vld @!p3 [tilespmem:s16+$0x10];
	[tilespmem:s11+$0x20] =	vst @!p1 v12;
	v4 =	vmul.f32 @!p1 v11, v4  }
0x6d: {  	v11 =	vld @!p3 [tilespmem:s16+$0x20];
	v10 =	vmul.f32 @!p3 v10, v8;
	[tilespmem:s11+$0x30] =	vst @!p1 v7  }
0x6e: {  	v6 =	vmul.f32 @!p3 v6, v8;
	[tilespmem:s11+$0xFFFFFFF0] =	vst @!p1 v4;
	p1 =	por p3, p3;
	v7 =	vld @!p3 [tilespmem:s16+$0x30]  }
0x6f: {  	[tilespmem:s16+$0xFFFFFFC0] =	vst @!p1 v10;
	v3 =	vmul.f32 @!p1 v3, v8;
	v4 =	vld @!p1 [tilespmem:s16+$0xFFFFFFF0]  }
0x70: {  	[tilespmem:s16+$0xFFFFFFD0] =	vst @!p1 v6;
	v6 =	vmul.f32 @!p1 v9, v8  }
0x71: {  	[tilespmem:s16+$0xFFFFFFE0] =	vst @!p1 v3;
	v3 =	vmul.f32 @!p1 v5, v8  }
0x72: {  	[tilespmem:s16+$0x0] =	vst @!p1 v6;
	v5 =	vmul.f32 @!p1 v11, v8  }
0x73: {  	[tilespmem:s16+$0x10] =	vst @!p1 v3;
	v3 =	vmul.f32 @!p1 v7, v8  }
0x74: {  	[tilespmem:s16+$0x20] =	vst @!p1 v5;
	v4 =	vmul.f32 @!p1 v4, v8  }
0x75: {  	[tilespmem:s16+$0x30] =	vst @!p1 v3  }
0x76: {  	[tilespmem:s16+$0xFFFFFFF0] =	vst @!p1 v4  }
.LBB2_7:
0x77: {  	s10 =	sadd.s32 $0x1, s10  }
0x78: {  	p1 =	sne.s32 s10, $0x8  }
.Ltmp5:
0x79: {  	_ = 	snop;
	(pc) =	sbr.rel @!p1 .LBB2_8-.Ltmp5, $2  }
0x7a: {  	_ =	sdelay $0x2  }
0x7b: {  	s9 =	sadd.s32 $0x800, s9  }
.LBB2_3:
0x7c: {  	_ =	sdelay $0x2  }
0x7d: {  	s11 =	sshll.u32 s10, $0x4  }
0x7e: {  	v3 =	vld.idx.msk [tilespmem:v2+s11+$0x0 ss:$0x1], $0xffff  }
0x7f: {  	v4 =	vld.idx.msk [tilespmem:v2+s11+$0x1C00 ss:$0x1], $0xffff;
	_ =	sdelay $0x3  }
0x80: {  	vm0 =	veq.s32 v3, $0x0  }
0x81: {  	v3 =	vsel vm0, $0x0, v4  }
0x82: {  	vm0 =	vlt.f32 v3, $1.000000000e+00;
	vm1 =	vgt.f32 v3, $1.000000000e+00  }
0x83: {  	vm0 =	vmor vm1, vm0  }
0x84: {  	v4 =	vsel vm0, $0x3F800000, v0  }
0x85: {  	(xrf0) =	vmax.scan.msk.f32 $0xffff, v4;
	_ =	sdelay $0x5  }
0x86: {  	v4, _, _ =	vpop (xrf0)  }
0x87: {  	(v2sf) =	vpush v4, $0xF;
	_ =	sdelay $0xe  }
0x88: {  	s30 =	spop (v2sf)  }
0x89: {  	p1 =	sgt.f32 s30, $0.0e+00  }
.Ltmp6:
0x8a: {  	_ = 	snop;
	(pc) =	sbr.rel @!p1 .LBB2_7-.Ltmp6, $1  }
0x8b: {  	_ =	sdelay $0x3  }
0x8c: {  	v4 =	vmov s6  }
0x8d: {  	vm0 =	veq.s32 v4, v1  }
0x8e: {  	v4 =	vnsel vm0, $0x0, v3  }
0x8f: {  	(xrf2) =	vadd.scan.msk.f32 $0xffff, v4;
	_ =	sdelay $0x3  }
0x90: {  	s11 =	simm.s32 $0x1  }
0x91: {  	v4 =	vmov s11  }
0x92: {  	vm11 =	veq.s32 v4, v1  }
0x93: {  	v4 =	vnsel vm11, $0x0, v3;
	_ =	sdelay $0x2  }
0x94: {  	(xrf2) =	vadd.scan.msk.f32 $0xffff, v4;
	v4, _, _ =	vpop (xrf2)  }
0x95: {  	(v2sf) =	vpush v4, $0xF;
	_ =	sdelay $0xa  }
0x96: {  	s17 =	simm.s32 $0x2  }
0x97: {  	v5 =	vmov s17;
	v7, _, _ =	vpop (xrf2)  }
0x98: {  	vm12 =	veq.s32 v5, v1;
	(v2sf) =	vpush v7, $0xF  }
0x99: {  	v5 =	vnsel vm12, $0x0, v3  }
0x9a: {  	(xrf2) =	vadd.scan.msk.f32 $0xffff, v5;
	s26 =	spop (v2sf)  }
0x9b: {  	p1 =	slt.f32 s26, $1.000000000e+00;
	p2 =	sgt.f32 s26, $1.000000000e+00  }
0x9c: {  	_ = 	snop  }
0x9d: {  	p1 =	por p2, p1  }
0x9e: {  	s28 =	simm.s32 $0x3;
	p3 =	por !p1, !p1  }
0x9f: {  	v6 =	vld @!p3 [tilespmem:s9+$0xFFFFFFC0];
	v13 =	vbroadcast @!p3 v4, $0xF;
	v4 =	vmov s28  }
0xa0: {  	vm13 =	veq.s32 v4, v1  }
0xa1: {  	v10 =	vnsel vm13, $0x0, v3  }
0xa2: {  	(xrf2) =	vadd.scan.msk.f32 $0xffff, v10  }
0xa3: {  	s29 =	simm.s32 $0x4  }
0xa4: {  	v5, _, _ =	vpop (xrf2);
	v8 =	vld @!p3 [tilespmem:s9+$0xFFFFFFD0];
	v4 =	vmov s29;
	v6 =	vmul.f32 @!p3 v6, v13  }
0xa5: {  	(v2sf) =	vpush v5, $0xF;
	v9 =	vld @!p3 [tilespmem:s9+$0xFFFFFFE0];
	p2 =	por p3, p3;
	vm14 =	veq.s32 v4, v1  }
0xa6: {  	v11 =	vld @!p3 [tilespmem:s9+$0x0];
	[tilespmem:s9+$0xFFFFFFC0] =	vst @!p2 v6;
	v6 =	vnsel vm14, $0x0, v3  }
0xa7: {  	s16 =	spop (v2sf);
	(xrf2) =	vadd.scan.msk.f32 $0xffff, v6;
	v6 =	vld @!p3 [tilespmem:s9+$0x20]  }
0xa8: {  	p6 =	slt.f32 s16, $1.000000000e+00;
	p4 =	sgt.f32 s16, $1.000000000e+00  }
0xa9: {  	v4 =	vld @!p3 [tilespmem:s9+$0x10]  }
0xaa: {  	p1 =	por p4, p6;
	v8 =	vmul.f32 @!p3 v8, v13  }
0xab: {  	s11 =	sadd.s32 $0x80, s9;
	v12 =	vld @!p3 [tilespmem:s9+$0x30];
	p1 =	por !p1, !p1;
	v9 =	vmul.f32 @!p2 v9, v13  }
0xac: {  	v11 =	vmul.f32 @!p2 v11, v13;
	v15 =	vld @!p1 [tilespmem:s11+$0xFFFFFFC0];
	[tilespmem:s9+$0xFFFFFFD0] =	vst @!p2 v8;
	v16 =	vmul.f32 @!p2 v6, v13;
	v6, _, _ =	vpop (xrf2)  }
0xad: {  	s30 =	simm.s32 $0x5;
	v10 =	vld @!p1 [tilespmem:s11+$0xFFFFFFD0];
	[tilespmem:s9+$0xFFFFFFE0] =	vst @!p2 v9;
	(v2sf) =	vpush v6, $0xF  }
0xae: {  	v4 =	vmul.f32 @!p2 v4, v13;
	v8 =	vld @!p1 [tilespmem:s11+$0xFFFFFFE0];
	[tilespmem:s9+$0x0] =	vst @!p2 v11;
	v11 =	vmov s30  }
0xaf: {  	v14 =	vld @!p2 [tilespmem:s9+$0xFFFFFFF0];
	vm15 =	veq.s32 v11, v1  }
0xb0: {  	v9 =	vld @!p1 [tilespmem:s11+$0x0];
	[tilespmem:s9+$0x10] =	vst @!p2 v4;
	v4 =	vnsel vm15, $0x0, v3;
	_ =	sdelay $0x1  }
0xb1: {  	(xrf2) =	vadd.scan.msk.f32 $0xffff, v4  }
0xb2: {  	v4, _, _ =	vpop (xrf2)  }
0xb3: {  	v7 =	vbroadcast @!p1 v7, $0xF;
	v17 =	vmul.f32 @!p2 v12, v13;
	s17 =	spop (v2sf);
	(v2sf) =	vpush v4, $0xF  }
0xb4: {  	v14 =	vmul.f32 @!p2 v14, v13;
	p3 =	slt.f32 s17, $1.000000000e+00;
	p5 =	sgt.f32 s17, $1.000000000e+00;
	v11 =	vld @!p1 [tilespmem:s11+$0x10];
	[tilespmem:s9+$0x20] =	vst @!p2 v16  }
0xb5: {  	s16 =	simm.s32 $0x6;
	s17 =	smov.u32 s9;
	v13 =	vmul.f32 @!p1 v15, v7;
	v12 =	vld @!p1 [tilespmem:s11+$0x20];
	[tilespmem:s9+$0x30] =	vst @!p2 v17  }
.LBB2_5:
0xb6: {  	v15 =	vmov s16;
	p3 =	por p5, p3;
	v10 =	vmul.f32 @!p1 v10, v7;
	v16 =	vld @!p1 [tilespmem:s11+$0x30];
	[tilespmem:s17+$0xFFFFFFF0] =	vst @!p2 v14;
	s17 =	smov.u32 s11;
	p2 =	por p1, p1  }
0xb7: {  	s11 =	sadd.s32 $0x80, s11;
	s16 =	sadd.s32 $0x1, s16;
	vm0 =	veq.s32 v15, v1;
	p1 =	por !p3, !p3;
	[tilespmem:s17+$0xFFFFFFC0] =	vst @!p2 v13;
	v8 =	vmul.f32 @!p2 v8, v7;
	v13 =	vld @!p2 [tilespmem:s17+$0xFFFFFFF0]  }
0xb8: {  	v9 =	vmul.f32 @!p2 v9, v7;
	p4 =	sne.s32 s16, $0x10;
	v14 =	vnsel vm0, $0x0, v3;
	v15 =	vld @!p1 [tilespmem:s11+$0xFFFFFFC0];
	[tilespmem:s17+$0xFFFFFFD0] =	vst @!p2 v10  }
.Ltmp7:
0xb9: {  	v11 =	vmul.f32 @!p2 v11, v7;
	(xrf2) =	vadd.scan.msk.f32 $0xffff, v14;
	v10 =	vld @!p1 [tilespmem:s11+$0xFFFFFFD0];
	[tilespmem:s17+$0xFFFFFFE0] =	vst @!p2 v8;
	(pc) =	sbr.rel @p4 .LBB2_5-.Ltmp7, $4  }
0xba: {  	v12 =	vmul.f32 @!p2 v12, v7;
	v8 =	vld @!p1 [tilespmem:s11+$0xFFFFFFE0];
	[tilespmem:s17+$0x0] =	vst @!p2 v9  }
0xbb: {  	v18 =	vbroadcast @!p1 v5, $0xF;
	v5 =	vmov v6;
	v17, _, _ =	vpop (xrf2);
	s26 =	spop (v2sf);
	v9 =	vld @!p1 [tilespmem:s11+$0x0];
	[tilespmem:s17+$0x10] =	vst @!p2 v11;
	v16 =	vmul.f32 @!p2 v16, v7  }
0xbc: {  	v6 =	vmovc v4;
	(v2sf) =	vpush v17, $0xF;
	p3 =	slt.f32 s26, $1.000000000e+00;
	p5 =	sgt.f32 s26, $1.000000000e+00;
	v11 =	vld @!p1 [tilespmem:s11+$0x10];
	v14 =	vmul.f32 @!p2 v13, v7;
	[tilespmem:s17+$0x20] =	vst @!p2 v12;
	v4 =	vmov v17  }
0xbd: {  	v7 =	vmov v18;
	v13 =	vmul.f32 @!p1 v15, v18;
	v12 =	vld @!p1 [tilespmem:s11+$0x20];
	[tilespmem:s17+$0x30] =	vst @!p2 v16  }
.Ltmp8:
0xbe: {  	_ = 	snop;
	(pc) =	sbr.rel .LBB2_6-.Ltmp8, $1  }
0xbf: {  	_ =	sdelay $0x3  }
.LBB2_8:
0xc0: {  	s6 =	smul.u32 $0x14000, s0;
	_ =	sdelay $0x1  }
0xc1: {  	s6 =	sadd.s32 s8, s6  }
0xc2: {  	s6 =	sshrl.u32 s6, $0x3  }
0xc3: {  	s9 =	simm.s32 @!p0 $0x9;
	s6 =	sadd.s32 s3, s6  }
0xc4: {  	[hbm4b:s6+s4] =	stream.linear.scatter [tilespmem:s14], [sflag:$0x6], $0x4000, $0x38;
	[tilespmem:$0x17800] =	vst v63  }
0xc5: {  	s11 =	sadd.s32 $0x3, s5;
	_ =	swait.ge @!p0 [sflag:s9], $0x4000  }
0xc6: {  	s6 =	sshll.u32 s11, $0x7;
	[sflag:s9] =	ssyncset.done @!p0 $0x0  }
.Ltmp9:
0xc7: {  	s30 =	sand.u32 $0x3FFFFF80, s6;
	[sflag:s9] =	ssyncadd.s32 @!p0 $0xFFFFC000;
	(pc) =	sbr.rel .LBB2_9-.Ltmp9, $4  }
0xc8: {  	[tilespmem:s20], [sflag:$0x4] =	stream.indirect.gather [hbm4b:s2+s13], $0x80, s30, s13, $0xb8;
	[tilespmem:$0x17800] =	vst v63  }
0xc9: {  	s9 =	sadd.s32 $0x1, s5;
	_ =	swait.ge [sflag:s21], $0x4000  }
0xca: {  	s10 =	simm.s32 $0x0;
	s17 =	sshll.u32 s9, $0x7;
	[sflag:s21] =	ssyncset.done $0x0  }
0xcb: {  	s16 =	simm.s32 $0x7840;
	v2 =	vmov s17;
	s17 =	simm.s32 $0x0;
	[sflag:s21] =	ssyncadd.s32 $0xFFFFC000  }
.LBB2_12:
0xcc: {  	[tilespmem:s29+$0xFFFFFFF0] =	vst @!p2 v14;
	p4 =	por p1, p1;
	p3 =	por p5, p3;
	v3 =	vmul.f32 @!p1 v10, v7  }
0xcd: {  	s28 =	sadd.s32 $0x80, s26;
	[tilespmem:s26+$0xFFFFFFC0] =	vst @!p4 v13;
	p2 =	por !p3, !p3;
	v10 =	vld @!p4 [tilespmem:s26+$0xFFFFFFF0];
	v8 =	vmul.f32 @!p4 v8, v7  }
0xce: {  	v13 =	vld @!p2 [tilespmem:s28+$0xFFFFFFC0];
	[tilespmem:s26+$0xFFFFFFD0] =	vst @!p4 v3  }
0xcf: {  	v3 =	vld @!p2 [tilespmem:s28+$0xFFFFFFD0];
	[tilespmem:s26+$0xFFFFFFE0] =	vst @!p4 v8  }
0xd0: {  	v8 =	vld @!p2 [tilespmem:s28+$0xFFFFFFE0]  }
0xd1: {  	v9 =	vmul.f32 @!p4 v9, v7  }
0xd2: {  	v11 =	vmul.f32 @!p4 v11, v7  }
0xd3: {  	v14 =	vld @!p1 [tilespmem:s26+$0x30];
	s30 =	spop (v2sf);
	v12 =	vmul.f32 @!p4 v12, v7;
	v5 =	vbroadcast @!p2 v5, $0xF;
	[tilespmem:s26+$0x0] =	vst @!p4 v9  }
0xd4: {  	p5 =	slt.f32 s30, $1.000000000e+00;
	p6 =	sgt.f32 s30, $1.000000000e+00;
	p3 =	por p2, p2;
	v9 =	vld @!p2 [tilespmem:s28+$0x0];
	[tilespmem:s26+$0x10] =	vst @!p4 v11;
	v10 =	vmul.f32 @!p4 v10, v7  }
0xd5: {  	v11 =	vld @!p2 [tilespmem:s28+$0x10];
	[tilespmem:s26+$0x20] =	vst @!p4 v12;
	v12 =	vmul.f32 @!p2 v13, v5;
	v8 =	vmul.f32 @!p3 v8, v5  }
0xd6: {  	p1 =	por p6, p5;
	v13 =	vld @!p2 [tilespmem:s28+$0x20];
	[tilespmem:s26+$0xFFFFFFF0] =	vst @!p4 v10;
	v3 =	vmul.f32 @!p2 v3, v5  }
0xd7: {  	s29 =	sadd.s32 $0x80, s28;
	p1 =	por !p1, !p1;
	[tilespmem:s28+$0xFFFFFFC0] =	vst @!p3 v12  }
0xd8: {  	v10 =	vld @!p1 [tilespmem:s29+$0xFFFFFFC0];
	[tilespmem:s28+$0xFFFFFFD0] =	vst @!p3 v3  }
0xd9: {  	v3 =	vmul.f32 @!p4 v14, v7;
	v7 =	vld @!p1 [tilespmem:s29+$0xFFFFFFD0];
	[tilespmem:s28+$0xFFFFFFE0] =	vst @!p3 v8;
	v8, _, _ =	vpop (xrf2)  }
0xda: {  	(v2sf) =	vpush v8, $0xF;
	_ =	sdelay $0x2  }
0xdb: {  	v12 =	vld @!p3 [tilespmem:s28+$0xFFFFFFF0]  }
0xdc: {  	v9 =	vmul.f32 @!p3 v9, v5;
	[tilespmem:s26+$0x30] =	vst @!p4 v3  }
0xdd: {  	v11 =	vmul.f32 @!p3 v11, v5;
	v14 =	vld @!p2 [tilespmem:s28+$0x30]  }
0xde: {  	v3 =	vld @!p1 [tilespmem:s29+$0xFFFFFFE0];
	[tilespmem:s28+$0x0] =	vst @!p3 v9  }
0xdf: {  	v6 =	vbroadcast @!p1 v6, $0xF;
	s30 =	spop (v2sf);
	v13 =	vmul.f32 @!p3 v13, v5;
	v9 =	vld @!p1 [tilespmem:s29+$0x0];
	[tilespmem:s28+$0x10] =	vst @!p3 v11  }
0xe0: {  	p5 =	slt.f32 s30, $1.000000000e+00;
	p6 =	sgt.f32 s30, $1.000000000e+00;
	v12 =	vmul.f32 @!p3 v12, v5;
	v11 =	vld @!p1 [tilespmem:s29+$0x10]  }
0xe1: {  	[tilespmem:s28+$0x20] =	vst @!p3 v13;
	v10 =	vmul.f32 @!p1 v10, v6  }
0xe2: {  	p4 =	por p6, p5;
	p2 =	por p1, p1;
	v13 =	vld @!p1 [tilespmem:s29+$0x20];
	[tilespmem:s28+$0xFFFFFFF0] =	vst @!p3 v12;
	v5 =	vmul.f32 @!p3 v14, v5  }
0xe3: {  	s26 =	sadd.s32 $0x80, s29;
	p4 =	por !p4, !p4;
	v7 =	vmul.f32 @!p1 v7, v6;
	[tilespmem:s29+$0xFFFFFFC0] =	vst @!p2 v10;
	v12 =	vld @!p2 [tilespmem:s29+$0xFFFFFFF0]  }
0xe4: {  	v3 =	vmul.f32 @!p2 v3, v6;
	v10 =	vld @!p4 [tilespmem:s26+$0xFFFFFFC0];
	[tilespmem:s28+$0x30] =	vst @!p3 v5  }
0xe5: {  	[tilespmem:s29+$0xFFFFFFD0] =	vst @!p2 v7;
	v9 =	vmul.f32 @!p2 v9, v6;
	v5 =	vmul.f32 @!p2 v11, v6;
	v11 =	vld @!p1 [tilespmem:s29+$0x30]  }
0xe6: {  	v7 =	vld @!p4 [tilespmem:s26+$0xFFFFFFD0];
	[tilespmem:s29+$0xFFFFFFE0] =	vst @!p2 v3  }
0xe7: {  	v4 =	vbroadcast @!p4 v4, $0xF;
	v3 =	vld @!p4 [tilespmem:s26+$0xFFFFFFE0];
	[tilespmem:s29+$0x0] =	vst @!p2 v9;
	v13 =	vmul.f32 @!p2 v13, v6;
	s30 =	spop (v2sf)  }
0xe8: {  	v9 =	vld @!p4 [tilespmem:s26+$0x0];
	[tilespmem:s29+$0x10] =	vst @!p2 v5;
	v12 =	vmul.f32 @!p2 v12, v6;
	p5 =	slt.f32 s30, $1.000000000e+00;
	p6 =	sgt.f32 s30, $1.000000000e+00  }
0xe9: {  	v5 =	vld @!p4 [tilespmem:s26+$0x10];
	[tilespmem:s29+$0x20] =	vst @!p2 v13;
	v10 =	vmul.f32 @!p4 v10, v4  }
0xea: {  	p1 =	por p4, p4;
	v13 =	vld @!p4 [tilespmem:s26+$0x20];
	[tilespmem:s29+$0xFFFFFFF0] =	vst @!p2 v12;
	v6 =	vmul.f32 @!p2 v11, v6;
	p3 =	por p6, p5  }
0xeb: {  	s28 =	sadd.s32 $0x80, s26;
	v7 =	vmul.f32 @!p4 v7, v4;
	[tilespmem:s26+$0xFFFFFFC0] =	vst @!p1 v10;
	p3 =	por !p3, !p3  }
0xec: {  	[tilespmem:s29+$0x30] =	vst @!p2 v6;
	v10 =	vld @!p3 [tilespmem:s28+$0xFFFFFFC0]  }
0xed: {  	[tilespmem:s26+$0xFFFFFFD0] =	vst @!p1 v7;
	v7 =	vld @!p4 [tilespmem:s26+$0x30]  }
0xee: {  	v3 =	vmul.f32 @!p1 v3, v4;
	v11 =	vld @!p1 [tilespmem:s26+$0xFFFFFFF0]  }
0xef: {  	v9 =	vmul.f32 @!p1 v9, v4  }
0xf0: {  	v5 =	vmul.f32 @!p1 v5, v4;
	v6 =	vld @!p3 [tilespmem:s28+$0xFFFFFFD0];
	[tilespmem:s26+$0xFFFFFFE0] =	vst @!p1 v3  }
0xf1: {  	v12 =	vmul.f32 @!p1 v13, v4;
	v3 =	vld @!p3 [tilespmem:s28+$0xFFFFFFE0];
	[tilespmem:s26+$0x0] =	vst @!p1 v9  }
0xf2: {  	v8 =	vbroadcast @!p3 v8, $0xF;
	v9 =	vld @!p3 [tilespmem:s28+$0x0];
	[tilespmem:s26+$0x10] =	vst @!p1 v5;
	v7 =	vmul.f32 @!p1 v7, v4  }
0xf3: {  	v5 =	vld @!p3 [tilespmem:s28+$0x10];
	[tilespmem:s26+$0x20] =	vst @!p1 v12;
	v4 =	vmul.f32 @!p1 v11, v4  }
0xf4: {  	v11 =	vld @!p3 [tilespmem:s28+$0x20];
	v10 =	vmul.f32 @!p3 v10, v8;
	[tilespmem:s26+$0x30] =	vst @!p1 v7  }
0xf5: {  	v6 =	vmul.f32 @!p3 v6, v8;
	[tilespmem:s26+$0xFFFFFFF0] =	vst @!p1 v4;
	p1 =	por p3, p3;
	v7 =	vld @!p3 [tilespmem:s28+$0x30]  }
0xf6: {  	[tilespmem:s28+$0xFFFFFFC0] =	vst @!p1 v10;
	v3 =	vmul.f32 @!p1 v3, v8;
	v4 =	vld @!p1 [tilespmem:s28+$0xFFFFFFF0]  }
0xf7: {  	[tilespmem:s28+$0xFFFFFFD0] =	vst @!p1 v6;
	v6 =	vmul.f32 @!p1 v9, v8  }
0xf8: {  	[tilespmem:s28+$0xFFFFFFE0] =	vst @!p1 v3;
	v3 =	vmul.f32 @!p1 v5, v8  }
0xf9: {  	[tilespmem:s28+$0x0] =	vst @!p1 v6;
	v5 =	vmul.f32 @!p1 v11, v8  }
0xfa: {  	[tilespmem:s28+$0x10] =	vst @!p1 v3;
	v3 =	vmul.f32 @!p1 v7, v8  }
0xfb: {  	[tilespmem:s28+$0x20] =	vst @!p1 v5;
	v4 =	vmul.f32 @!p1 v4, v8  }
0xfc: {  	[tilespmem:s28+$0x30] =	vst @!p1 v3  }
0xfd: {  	[tilespmem:s28+$0xFFFFFFF0] =	vst @!p1 v4  }
.LBB2_13:
0xfe: {  	s17 =	sadd.s32 $0x1, s17  }
0xff: {  	p1 =	sne.s32 s17, $0x8  }
.Ltmp10:
0x100: {  	_ = 	snop;
	(pc) =	sbr.rel @!p1 .LBB2_14-.Ltmp10, $2  }
0x101: {  	_ =	sdelay $0x2  }
0x102: {  	s16 =	sadd.s32 $0x800, s16  }
.LBB2_9:
0x103: {  	_ =	sdelay $0x2  }
0x104: {  	s26 =	sshll.u32 s17, $0x4  }
0x105: {  	v3 =	vld.idx.msk [tilespmem:v2+s26+$0x0 ss:$0x1], $0xffff  }
0x106: {  	v4 =	vld.idx.msk [tilespmem:v2+s26+$0x1C00 ss:$0x1], $0xffff;
	_ =	sdelay $0x3  }
0x107: {  	vm0 =	veq.s32 v3, $0x0  }
0x108: {  	v3 =	vsel vm0, $0x0, v4  }
0x109: {  	vm0 =	vlt.f32 v3, $1.000000000e+00;
	vm1 =	vgt.f32 v3, $1.000000000e+00  }
0x10a: {  	vm0 =	vmor vm1, vm0  }
0x10b: {  	v4 =	vsel vm0, $0x3F800000, v0  }
0x10c: {  	(xrf0) =	vmax.scan.msk.f32 $0xffff, v4;
	_ =	sdelay $0x5  }
0x10d: {  	v4, _, _ =	vpop (xrf0)  }
0x10e: {  	(v2sf) =	vpush v4, $0xF;
	_ =	sdelay $0xe  }
0x10f: {  	s30 =	spop (v2sf)  }
0x110: {  	p1 =	sgt.f32 s30, $0.0e+00  }
.Ltmp11:
0x111: {  	_ = 	snop;
	(pc) =	sbr.rel @!p1 .LBB2_13-.Ltmp11, $1  }
0x112: {  	_ =	sdelay $0x3  }
0x113: {  	v4 =	vmov s10  }
0x114: {  	vm0 =	veq.s32 v4, v1  }
0x115: {  	v4 =	vnsel vm0, $0x0, v3  }
0x116: {  	(xrf2) =	vadd.scan.msk.f32 $0xffff, v4;
	_ =	sdelay $0x3  }
0x117: {  	s26 =	simm.s32 $0x1  }
0x118: {  	v4 =	vmov s26  }
0x119: {  	vm11 =	veq.s32 v4, v1  }
0x11a: {  	v4 =	vnsel vm11, $0x0, v3;
	_ =	sdelay $0x2  }
0x11b: {  	(xrf2) =	vadd.scan.msk.f32 $0xffff, v4;
	v4, _, _ =	vpop (xrf2)  }
0x11c: {  	(v2sf) =	vpush v4, $0xF;
	_ =	sdelay $0xa  }
0x11d: {  	s30 =	simm.s32 $0x2  }
0x11e: {  	v5 =	vmov s30;
	v7, _, _ =	vpop (xrf2)  }
0x11f: {  	vm12 =	veq.s32 v5, v1;
	(v2sf) =	vpush v7, $0xF  }
0x120: {  	v5 =	vnsel vm12, $0x0, v3  }
0x121: {  	(xrf2) =	vadd.scan.msk.f32 $0xffff, v5;
	s30 =	spop (v2sf)  }
0x122: {  	p1 =	slt.f32 s30, $1.000000000e+00;
	p2 =	sgt.f32 s30, $1.000000000e+00  }
0x123: {  	_ = 	snop  }
0x124: {  	p1 =	por p2, p1  }
0x125: {  	s30 =	simm.s32 $0x3;
	p3 =	por !p1, !p1  }
0x126: {  	v6 =	vld @!p3 [tilespmem:s16+$0xFFFFFFC0];
	v13 =	vbroadcast @!p3 v4, $0xF;
	v4 =	vmov s30  }
0x127: {  	vm13 =	veq.s32 v4, v1  }
0x128: {  	v10 =	vnsel vm13, $0x0, v3  }
0x129: {  	(xrf2) =	vadd.scan.msk.f32 $0xffff, v10  }
0x12a: {  	s30 =	simm.s32 $0x4  }
0x12b: {  	v5, _, _ =	vpop (xrf2);
	v8 =	vld @!p3 [tilespmem:s16+$0xFFFFFFD0];
	v4 =	vmov s30;
	v6 =	vmul.f32 @!p3 v6, v13  }
0x12c: {  	(v2sf) =	vpush v5, $0xF;
	v9 =	vld @!p3 [tilespmem:s16+$0xFFFFFFE0];
	p2 =	por p3, p3;
	vm14 =	veq.s32 v4, v1  }
0x12d: {  	v11 =	vld @!p3 [tilespmem:s16+$0x0];
	[tilespmem:s16+$0xFFFFFFC0] =	vst @!p2 v6;
	v6 =	vnsel vm14, $0x0, v3  }
0x12e: {  	s28 =	spop (v2sf);
	(xrf2) =	vadd.scan.msk.f32 $0xffff, v6;
	v6 =	vld @!p3 [tilespmem:s16+$0x20]  }
0x12f: {  	p6 =	slt.f32 s28, $1.000000000e+00;
	p4 =	sgt.f32 s28, $1.000000000e+00  }
0x130: {  	v4 =	vld @!p3 [tilespmem:s16+$0x10]  }
0x131: {  	p1 =	por p4, p6;
	v8 =	vmul.f32 @!p3 v8, v13  }
0x132: {  	s26 =	sadd.s32 $0x80, s16;
	v12 =	vld @!p3 [tilespmem:s16+$0x30];
	p1 =	por !p1, !p1;
	v9 =	vmul.f32 @!p2 v9, v13  }
0x133: {  	v11 =	vmul.f32 @!p2 v11, v13;
	v15 =	vld @!p1 [tilespmem:s26+$0xFFFFFFC0];
	[tilespmem:s16+$0xFFFFFFD0] =	vst @!p2 v8;
	v16 =	vmul.f32 @!p2 v6, v13;
	v6, _, _ =	vpop (xrf2)  }
0x134: {  	s28 =	simm.s32 $0x5;
	v10 =	vld @!p1 [tilespmem:s26+$0xFFFFFFD0];
	[tilespmem:s16+$0xFFFFFFE0] =	vst @!p2 v9;
	(v2sf) =	vpush v6, $0xF  }
0x135: {  	v4 =	vmul.f32 @!p2 v4, v13;
	v8 =	vld @!p1 [tilespmem:s26+$0xFFFFFFE0];
	[tilespmem:s16+$0x0] =	vst @!p2 v11;
	v11 =	vmov s28  }
0x136: {  	v14 =	vld @!p2 [tilespmem:s16+$0xFFFFFFF0];
	vm15 =	veq.s32 v11, v1  }
0x137: {  	v9 =	vld @!p1 [tilespmem:s26+$0x0];
	[tilespmem:s16+$0x10] =	vst @!p2 v4;
	v4 =	vnsel vm15, $0x0, v3;
	_ =	sdelay $0x1  }
0x138: {  	(xrf2) =	vadd.scan.msk.f32 $0xffff, v4  }
0x139: {  	v4, _, _ =	vpop (xrf2)  }
0x13a: {  	v7 =	vbroadcast @!p1 v7, $0xF;
	v17 =	vmul.f32 @!p2 v12, v13;
	s29 =	spop (v2sf);
	(v2sf) =	vpush v4, $0xF  }
0x13b: {  	v14 =	vmul.f32 @!p2 v14, v13;
	p3 =	slt.f32 s29, $1.000000000e+00;
	p5 =	sgt.f32 s29, $1.000000000e+00;
	v11 =	vld @!p1 [tilespmem:s26+$0x10];
	[tilespmem:s16+$0x20] =	vst @!p2 v16  }
0x13c: {  	s29 =	smov.u32 s16;
	s28 =	simm.s32 $0x6;
	v13 =	vmul.f32 @!p1 v15, v7;
	v12 =	vld @!p1 [tilespmem:s26+$0x20];
	[tilespmem:s16+$0x30] =	vst @!p2 v17  }
.LBB2_11:
0x13d: {  	v15 =	vmov s28;
	p3 =	por p5, p3;
	v10 =	vmul.f32 @!p1 v10, v7;
	v16 =	vld @!p1 [tilespmem:s26+$0x30];
	[tilespmem:s29+$0xFFFFFFF0] =	vst @!p2 v14;
	s29 =	smov.u32 s26;
	p2 =	por p1, p1  }
0x13e: {  	s26 =	sadd.s32 $0x80, s26;
	s28 =	sadd.s32 $0x1, s28;
	vm0 =	veq.s32 v15, v1;
	p1 =	por !p3, !p3;
	[tilespmem:s29+$0xFFFFFFC0] =	vst @!p2 v13;
	v8 =	vmul.f32 @!p2 v8, v7;
	v13 =	vld @!p2 [tilespmem:s29+$0xFFFFFFF0]  }
0x13f: {  	v9 =	vmul.f32 @!p2 v9, v7;
	p4 =	sne.s32 s28, $0x10;
	v14 =	vnsel vm0, $0x0, v3;
	v15 =	vld @!p1 [tilespmem:s26+$0xFFFFFFC0];
	[tilespmem:s29+$0xFFFFFFD0] =	vst @!p2 v10  }
.Ltmp12:
0x140: {  	v11 =	vmul.f32 @!p2 v11, v7;
	(xrf2) =	vadd.scan.msk.f32 $0xffff, v14;
	v10 =	vld @!p1 [tilespmem:s26+$0xFFFFFFD0];
	[tilespmem:s29+$0xFFFFFFE0] =	vst @!p2 v8;
	(pc) =	sbr.rel @p4 .LBB2_11-.Ltmp12, $4  }
0x141: {  	v12 =	vmul.f32 @!p2 v12, v7;
	v8 =	vld @!p1 [tilespmem:s26+$0xFFFFFFE0];
	[tilespmem:s29+$0x0] =	vst @!p2 v9  }
0x142: {  	v18 =	vbroadcast @!p1 v5, $0xF;
	v5 =	vmov v6;
	v17, _, _ =	vpop (xrf2);
	s30 =	spop (v2sf);
	v9 =	vld @!p1 [tilespmem:s26+$0x0];
	[tilespmem:s29+$0x10] =	vst @!p2 v11;
	v16 =	vmul.f32 @!p2 v16, v7  }
0x143: {  	v6 =	vmovc v4;
	(v2sf) =	vpush v17, $0xF;
	p3 =	slt.f32 s30, $1.000000000e+00;
	p5 =	sgt.f32 s30, $1.000000000e+00;
	v11 =	vld @!p1 [tilespmem:s26+$0x10];
	v14 =	vmul.f32 @!p2 v13, v7;
	[tilespmem:s29+$0x20] =	vst @!p2 v12;
	v4 =	vmov v17  }
0x144: {  	v7 =	vmov v18;
	v13 =	vmul.f32 @!p1 v15, v18;
	v12 =	vld @!p1 [tilespmem:s26+$0x20];
	[tilespmem:s29+$0x30] =	vst @!p2 v16  }
.Ltmp13:
0x145: {  	_ = 	snop;
	(pc) =	sbr.rel .LBB2_12-.Ltmp13, $1  }
0x146: {  	_ =	sdelay $0x3  }
.LBB2_14:
0x147: {  	s9 =	sshll.u32 s9, $0xE  }
0x148: {  	s9 =	sadd.s32 s8, s9  }
0x149: {  	s9 =	sshrl.u32 s9, $0x3  }
0x14a: {  	s10 =	simm.s32 @!p0 $0xA;
	s9 =	sadd.s32 s3, s9  }
0x14b: {  	[hbm4b:s9+s4] =	stream.linear.scatter [tilespmem:s15], [sflag:$0x7], $0x4000, $0x38;
	[tilespmem:$0x17800] =	vst v63  }
0x14c: {  	s5 =	sadd.s32 $0x4, s5;
	_ =	swait.ge @!p0 [sflag:s10], $0x4000  }
0x14d: {  	s9 =	sshll.u32 s5, $0x7;
	[sflag:s10] =	ssyncset.done @!p0 $0x0  }
.Ltmp14:
0x14e: {  	s30 =	sand.u32 $0x3FFFFF80, s9;
	[sflag:s10] =	ssyncadd.s32 @!p0 $0xFFFFC000;
	(pc) =	sbr.rel .LBB2_15-.Ltmp14, $4  }
0x14f: {  	[tilespmem:s22], [sflag:$0x5] =	stream.indirect.gather [hbm4b:s2+s13], $0x80, s30, s13, $0xb8;
	[tilespmem:$0x17800] =	vst v63  }
0x150: {  	_ =	swait.ge [sflag:s23], $0x4000  }
0x151: {  	s16 =	simm.s32 $0xB840;
	[sflag:s23] =	ssyncset.done $0x0  }
0x152: {  	v2 =	vmov s7;
	s7 =	simm.s32 $0x0;
	s10 =	simm.s32 $0x0;
	[sflag:s23] =	ssyncadd.s32 $0xFFFFC000  }
.LBB2_18:
0x153: {  	[tilespmem:s28+$0xFFFFFFF0] =	vst @!p1 v14;
	p3 =	por p0, p0;
	p4 =	por p4, p2;
	v3 =	vmul.f32 @!p0 v10, v7  }
0x154: {  	s26 =	sadd.s32 $0x80, s17;
	[tilespmem:s17+$0xFFFFFFC0] =	vst @!p3 v13;
	p1 =	por !p4, !p4;
	v10 =	vld @!p3 [tilespmem:s17+$0xFFFFFFF0];
	v8 =	vmul.f32 @!p3 v8, v7  }
0x155: {  	v13 =	vld @!p1 [tilespmem:s26+$0xFFFFFFC0];
	[tilespmem:s17+$0xFFFFFFD0] =	vst @!p3 v3  }
0x156: {  	v3 =	vld @!p1 [tilespmem:s26+$0xFFFFFFD0];
	[tilespmem:s17+$0xFFFFFFE0] =	vst @!p3 v8  }
0x157: {  	v8 =	vld @!p1 [tilespmem:s26+$0xFFFFFFE0]  }
0x158: {  	v9 =	vmul.f32 @!p3 v9, v7  }
0x159: {  	v11 =	vmul.f32 @!p3 v11, v7  }
0x15a: {  	v14 =	vld @!p0 [tilespmem:s17+$0x30];
	s30 =	spop (v2sf);
	v12 =	vmul.f32 @!p3 v12, v7;
	v5 =	vbroadcast @!p1 v5, $0xF;
	[tilespmem:s17+$0x0] =	vst @!p3 v9  }
0x15b: {  	p5 =	slt.f32 s30, $1.000000000e+00;
	p6 =	sgt.f32 s30, $1.000000000e+00;
	p2 =	por p1, p1;
	v9 =	vld @!p1 [tilespmem:s26+$0x0];
	[tilespmem:s17+$0x10] =	vst @!p3 v11;
	v10 =	vmul.f32 @!p3 v10, v7  }
0x15c: {  	v11 =	vld @!p1 [tilespmem:s26+$0x10];
	[tilespmem:s17+$0x20] =	vst @!p3 v12;
	v12 =	vmul.f32 @!p1 v13, v5;
	v8 =	vmul.f32 @!p2 v8, v5  }
0x15d: {  	p0 =	por p6, p5;
	v13 =	vld @!p1 [tilespmem:s26+$0x20];
	[tilespmem:s17+$0xFFFFFFF0] =	vst @!p3 v10;
	v3 =	vmul.f32 @!p1 v3, v5  }
0x15e: {  	s28 =	sadd.s32 $0x80, s26;
	p0 =	por !p0, !p0;
	[tilespmem:s26+$0xFFFFFFC0] =	vst @!p2 v12  }
0x15f: {  	v10 =	vld @!p0 [tilespmem:s28+$0xFFFFFFC0];
	[tilespmem:s26+$0xFFFFFFD0] =	vst @!p2 v3  }
0x160: {  	v3 =	vmul.f32 @!p3 v14, v7;
	v7 =	vld @!p0 [tilespmem:s28+$0xFFFFFFD0];
	[tilespmem:s26+$0xFFFFFFE0] =	vst @!p2 v8;
	v8, _, _ =	vpop (xrf2)  }
0x161: {  	(v2sf) =	vpush v8, $0xF;
	_ =	sdelay $0x2  }
0x162: {  	v12 =	vld @!p2 [tilespmem:s26+$0xFFFFFFF0]  }
0x163: {  	v9 =	vmul.f32 @!p2 v9, v5;
	[tilespmem:s17+$0x30] =	vst @!p3 v3  }
0x164: {  	v11 =	vmul.f32 @!p2 v11, v5;
	v14 =	vld @!p1 [tilespmem:s26+$0x30]  }
0x165: {  	v3 =	vld @!p0 [tilespmem:s28+$0xFFFFFFE0];
	[tilespmem:s26+$0x0] =	vst @!p2 v9  }
0x166: {  	v6 =	vbroadcast @!p0 v6, $0xF;
	s29 =	spop (v2sf);
	v13 =	vmul.f32 @!p2 v13, v5;
	v9 =	vld @!p0 [tilespmem:s28+$0x0];
	[tilespmem:s26+$0x10] =	vst @!p2 v11  }
0x167: {  	p4 =	sgt.f32 s29, $1.000000000e+00;
	p3 =	slt.f32 s29, $1.000000000e+00;
	v12 =	vmul.f32 @!p2 v12, v5;
	v11 =	vld @!p0 [tilespmem:s28+$0x10]  }
0x168: {  	[tilespmem:s26+$0x20] =	vst @!p2 v13;
	v10 =	vmul.f32 @!p0 v10, v6  }
0x169: {  	p1 =	por p0, p0;
	p3 =	por p4, p3;
	v13 =	vld @!p0 [tilespmem:s28+$0x20];
	[tilespmem:s26+$0xFFFFFFF0] =	vst @!p2 v12;
	v5 =	vmul.f32 @!p2 v14, v5  }
0x16a: {  	s17 =	sadd.s32 $0x80, s28;
	p3 =	por !p3, !p3;
	v7 =	vmul.f32 @!p0 v7, v6;
	[tilespmem:s28+$0xFFFFFFC0] =	vst @!p1 v10;
	v12 =	vld @!p1 [tilespmem:s28+$0xFFFFFFF0]  }
0x16b: {  	v3 =	vmul.f32 @!p1 v3, v6;
	v10 =	vld @!p3 [tilespmem:s17+$0xFFFFFFC0];
	[tilespmem:s26+$0x30] =	vst @!p2 v5  }
0x16c: {  	[tilespmem:s28+$0xFFFFFFD0] =	vst @!p1 v7;
	v9 =	vmul.f32 @!p1 v9, v6;
	v5 =	vmul.f32 @!p1 v11, v6;
	v11 =	vld @!p0 [tilespmem:s28+$0x30]  }
0x16d: {  	v7 =	vld @!p3 [tilespmem:s17+$0xFFFFFFD0];
	[tilespmem:s28+$0xFFFFFFE0] =	vst @!p1 v3  }
0x16e: {  	v4 =	vbroadcast @!p3 v4, $0xF;
	v3 =	vld @!p3 [tilespmem:s17+$0xFFFFFFE0];
	[tilespmem:s28+$0x0] =	vst @!p1 v9;
	v13 =	vmul.f32 @!p1 v13, v6;
	s30 =	spop (v2sf)  }
0x16f: {  	v9 =	vld @!p3 [tilespmem:s17+$0x0];
	[tilespmem:s28+$0x10] =	vst @!p1 v5;
	v12 =	vmul.f32 @!p1 v12, v6;
	p5 =	slt.f32 s30, $1.000000000e+00;
	p6 =	sgt.f32 s30, $1.000000000e+00  }
0x170: {  	v5 =	vld @!p3 [tilespmem:s17+$0x10];
	[tilespmem:s28+$0x20] =	vst @!p1 v13;
	v10 =	vmul.f32 @!p3 v10, v4  }
0x171: {  	p0 =	por p3, p3;
	v13 =	vld @!p3 [tilespmem:s17+$0x20];
	[tilespmem:s28+$0xFFFFFFF0] =	vst @!p1 v12;
	v6 =	vmul.f32 @!p1 v11, v6;
	p2 =	por p6, p5  }
0x172: {  	s26 =	sadd.s32 $0x80, s17;
	v7 =	vmul.f32 @!p3 v7, v4;
	[tilespmem:s17+$0xFFFFFFC0] =	vst @!p0 v10;
	p2 =	por !p2, !p2  }
0x173: {  	[tilespmem:s28+$0x30] =	vst @!p1 v6;
	v10 =	vld @!p2 [tilespmem:s26+$0xFFFFFFC0]  }
0x174: {  	[tilespmem:s17+$0xFFFFFFD0] =	vst @!p0 v7;
	v7 =	vld @!p3 [tilespmem:s17+$0x30]  }
0x175: {  	v3 =	vmul.f32 @!p0 v3, v4;
	v11 =	vld @!p0 [tilespmem:s17+$0xFFFFFFF0]  }
0x176: {  	v9 =	vmul.f32 @!p0 v9, v4  }
0x177: {  	v5 =	vmul.f32 @!p0 v5, v4;
	v6 =	vld @!p2 [tilespmem:s26+$0xFFFFFFD0];
	[tilespmem:s17+$0xFFFFFFE0] =	vst @!p0 v3  }
0x178: {  	v12 =	vmul.f32 @!p0 v13, v4;
	v3 =	vld @!p2 [tilespmem:s26+$0xFFFFFFE0];
	[tilespmem:s17+$0x0] =	vst @!p0 v9  }
0x179: {  	v8 =	vbroadcast @!p2 v8, $0xF;
	v9 =	vld @!p2 [tilespmem:s26+$0x0];
	[tilespmem:s17+$0x10] =	vst @!p0 v5;
	v7 =	vmul.f32 @!p0 v7, v4  }
0x17a: {  	v5 =	vld @!p2 [tilespmem:s26+$0x10];
	[tilespmem:s17+$0x20] =	vst @!p0 v12;
	v4 =	vmul.f32 @!p0 v11, v4  }
0x17b: {  	v11 =	vld @!p2 [tilespmem:s26+$0x20];
	v10 =	vmul.f32 @!p2 v10, v8;
	[tilespmem:s17+$0x30] =	vst @!p0 v7  }
0x17c: {  	v6 =	vmul.f32 @!p2 v6, v8;
	[tilespmem:s17+$0xFFFFFFF0] =	vst @!p0 v4;
	p0 =	por p2, p2;
	v7 =	vld @!p2 [tilespmem:s26+$0x30]  }
0x17d: {  	[tilespmem:s26+$0xFFFFFFC0] =	vst @!p0 v10;
	v3 =	vmul.f32 @!p0 v3, v8;
	v4 =	vld @!p0 [tilespmem:s26+$0xFFFFFFF0]  }
0x17e: {  	[tilespmem:s26+$0xFFFFFFD0] =	vst @!p0 v6;
	v6 =	vmul.f32 @!p0 v9, v8  }
0x17f: {  	[tilespmem:s26+$0xFFFFFFE0] =	vst @!p0 v3;
	v3 =	vmul.f32 @!p0 v5, v8  }
0x180: {  	[tilespmem:s26+$0x0] =	vst @!p0 v6;
	v5 =	vmul.f32 @!p0 v11, v8  }
0x181: {  	[tilespmem:s26+$0x10] =	vst @!p0 v3;
	v3 =	vmul.f32 @!p0 v7, v8  }
0x182: {  	[tilespmem:s26+$0x20] =	vst @!p0 v5;
	v4 =	vmul.f32 @!p0 v4, v8  }
0x183: {  	[tilespmem:s26+$0x30] =	vst @!p0 v3  }
0x184: {  	[tilespmem:s26+$0xFFFFFFF0] =	vst @!p0 v4  }
.LBB2_19:
0x185: {  	s7 =	sadd.s32 $0x1, s7  }
0x186: {  	p0 =	sne.s32 s7, $0x8  }
.Ltmp15:
0x187: {  	_ = 	snop;
	(pc) =	sbr.rel @!p0 .LBB2_20-.Ltmp15, $2  }
0x188: {  	_ =	sdelay $0x2  }
0x189: {  	s16 =	sadd.s32 $0x800, s16  }
.LBB2_15:
0x18a: {  	_ =	sdelay $0x2  }
0x18b: {  	s17 =	sshll.u32 s7, $0x4  }
0x18c: {  	v3 =	vld.idx.msk [tilespmem:v2+s17+$0x0 ss:$0x1], $0xffff  }
0x18d: {  	v4 =	vld.idx.msk [tilespmem:v2+s17+$0x1C00 ss:$0x1], $0xffff;
	_ =	sdelay $0x3  }
0x18e: {  	vm0 =	veq.s32 v3, $0x0  }
0x18f: {  	v3 =	vsel vm0, $0x0, v4  }
0x190: {  	vm0 =	vlt.f32 v3, $1.000000000e+00;
	vm1 =	vgt.f32 v3, $1.000000000e+00  }
0x191: {  	vm0 =	vmor vm1, vm0  }
0x192: {  	v4 =	vsel vm0, $0x3F800000, v0  }
0x193: {  	(xrf0) =	vmax.scan.msk.f32 $0xffff, v4;
	_ =	sdelay $0x5  }
0x194: {  	v4, _, _ =	vpop (xrf0)  }
0x195: {  	(v2sf) =	vpush v4, $0xF;
	_ =	sdelay $0xe  }
0x196: {  	s30 =	spop (v2sf)  }
0x197: {  	p0 =	sgt.f32 s30, $0.0e+00  }
.Ltmp16:
0x198: {  	_ = 	snop;
	(pc) =	sbr.rel @!p0 .LBB2_19-.Ltmp16, $1  }
0x199: {  	_ =	sdelay $0x3  }
0x19a: {  	v4 =	vmov s10  }
0x19b: {  	vm0 =	veq.s32 v4, v1  }
0x19c: {  	v4 =	vnsel vm0, $0x0, v3  }
0x19d: {  	(xrf2) =	vadd.scan.msk.f32 $0xffff, v4;
	_ =	sdelay $0x3  }
0x19e: {  	s17 =	simm.s32 $0x1  }
0x19f: {  	v4 =	vmov s17  }
0x1a0: {  	vm11 =	veq.s32 v4, v1  }
0x1a1: {  	v4 =	vnsel vm11, $0x0, v3;
	_ =	sdelay $0x2  }
0x1a2: {  	(xrf2) =	vadd.scan.msk.f32 $0xffff, v4;
	v4, _, _ =	vpop (xrf2)  }
0x1a3: {  	(v2sf) =	vpush v4, $0xF;
	_ =	sdelay $0xa  }
0x1a4: {  	s26 =	simm.s32 $0x2  }
0x1a5: {  	v5 =	vmov s26;
	v7, _, _ =	vpop (xrf2)  }
0x1a6: {  	vm12 =	veq.s32 v5, v1;
	(v2sf) =	vpush v7, $0xF  }
0x1a7: {  	v5 =	vnsel vm12, $0x0, v3  }
0x1a8: {  	(xrf2) =	vadd.scan.msk.f32 $0xffff, v5;
	s29 =	spop (v2sf)  }
0x1a9: {  	p0 =	slt.f32 s29, $1.000000000e+00;
	p1 =	sgt.f32 s29, $1.000000000e+00  }
0x1aa: {  	_ = 	snop  }
0x1ab: {  	p0 =	por p1, p0  }
0x1ac: {  	s30 =	simm.s32 $0x3;
	p2 =	por !p0, !p0  }
0x1ad: {  	v6 =	vld @!p2 [tilespmem:s16+$0xFFFFFFC0];
	v13 =	vbroadcast @!p2 v4, $0xF;
	v4 =	vmov s30  }
0x1ae: {  	vm13 =	veq.s32 v4, v1  }
0x1af: {  	v10 =	vnsel vm13, $0x0, v3  }
0x1b0: {  	(xrf2) =	vadd.scan.msk.f32 $0xffff, v10  }
0x1b1: {  	s29 =	simm.s32 $0x4  }
0x1b2: {  	v5, _, _ =	vpop (xrf2);
	v8 =	vld @!p2 [tilespmem:s16+$0xFFFFFFD0];
	v4 =	vmov s29;
	v6 =	vmul.f32 @!p2 v6, v13  }
0x1b3: {  	(v2sf) =	vpush v5, $0xF;
	v9 =	vld @!p2 [tilespmem:s16+$0xFFFFFFE0];
	p1 =	por p2, p2;
	vm14 =	veq.s32 v4, v1  }
0x1b4: {  	v11 =	vld @!p2 [tilespmem:s16+$0x0];
	[tilespmem:s16+$0xFFFFFFC0] =	vst @!p1 v6;
	v6 =	vnsel vm14, $0x0, v3  }
0x1b5: {  	s26 =	spop (v2sf);
	(xrf2) =	vadd.scan.msk.f32 $0xffff, v6;
	v6 =	vld @!p2 [tilespmem:s16+$0x20]  }
0x1b6: {  	p6 =	slt.f32 s26, $1.000000000e+00;
	p3 =	sgt.f32 s26, $1.000000000e+00  }
0x1b7: {  	v4 =	vld @!p2 [tilespmem:s16+$0x10]  }
0x1b8: {  	p0 =	por p3, p6;
	v8 =	vmul.f32 @!p2 v8, v13  }
0x1b9: {  	s17 =	sadd.s32 $0x80, s16;
	v12 =	vld @!p2 [tilespmem:s16+$0x30];
	p0 =	por !p0, !p0;
	v9 =	vmul.f32 @!p1 v9, v13  }
0x1ba: {  	v11 =	vmul.f32 @!p1 v11, v13;
	v15 =	vld @!p0 [tilespmem:s17+$0xFFFFFFC0];
	[tilespmem:s16+$0xFFFFFFD0] =	vst @!p1 v8;
	v16 =	vmul.f32 @!p1 v6, v13;
	v6, _, _ =	vpop (xrf2)  }
0x1bb: {  	s30 =	simm.s32 $0x5;
	v10 =	vld @!p0 [tilespmem:s17+$0xFFFFFFD0];
	[tilespmem:s16+$0xFFFFFFE0] =	vst @!p1 v9;
	(v2sf) =	vpush v6, $0xF  }
0x1bc: {  	v4 =	vmul.f32 @!p1 v4, v13;
	v8 =	vld @!p0 [tilespmem:s17+$0xFFFFFFE0];
	[tilespmem:s16+$0x0] =	vst @!p1 v11;
	v11 =	vmov s30  }
0x1bd: {  	v14 =	vld @!p1 [tilespmem:s16+$0xFFFFFFF0];
	vm15 =	veq.s32 v11, v1  }
0x1be: {  	v9 =	vld @!p0 [tilespmem:s17+$0x0];
	[tilespmem:s16+$0x10] =	vst @!p1 v4;
	v4 =	vnsel vm15, $0x0, v3;
	_ =	sdelay $0x1  }
0x1bf: {  	(xrf2) =	vadd.scan.msk.f32 $0xffff, v4  }
0x1c0: {  	v4, _, _ =	vpop (xrf2)  }
0x1c1: {  	v7 =	vbroadcast @!p0 v7, $0xF;
	v17 =	vmul.f32 @!p1 v12, v13;
	s28 =	spop (v2sf);
	(v2sf) =	vpush v4, $0xF  }
0x1c2: {  	v14 =	vmul.f32 @!p1 v14, v13;
	p2 =	slt.f32 s28, $1.000000000e+00;
	p4 =	sgt.f32 s28, $1.000000000e+00;
	v11 =	vld @!p0 [tilespmem:s17+$0x10];
	[tilespmem:s16+$0x20] =	vst @!p1 v16  }
0x1c3: {  	s26 =	simm.s32 $0x6;
	s28 =	smov.u32 s16;
	v13 =	vmul.f32 @!p0 v15, v7;
	v12 =	vld @!p0 [tilespmem:s17+$0x20];
	[tilespmem:s16+$0x30] =	vst @!p1 v17  }
.LBB2_17:
0x1c4: {  	v15 =	vmov s26;
	p2 =	por p4, p2;
	v10 =	vmul.f32 @!p0 v10, v7;
	v16 =	vld @!p0 [tilespmem:s17+$0x30];
	[tilespmem:s28+$0xFFFFFFF0] =	vst @!p1 v14;
	s28 =	smov.u32 s17;
	p1 =	por p0, p0  }
0x1c5: {  	s17 =	sadd.s32 $0x80, s17;
	s26 =	sadd.s32 $0x1, s26;
	vm0 =	veq.s32 v15, v1;
	p0 =	por !p2, !p2;
	[tilespmem:s28+$0xFFFFFFC0] =	vst @!p1 v13;
	v8 =	vmul.f32 @!p1 v8, v7;
	v13 =	vld @!p1 [tilespmem:s28+$0xFFFFFFF0]  }
0x1c6: {  	v9 =	vmul.f32 @!p1 v9, v7;
	p3 =	sne.s32 s26, $0x10;
	v14 =	vnsel vm0, $0x0, v3;
	v15 =	vld @!p0 [tilespmem:s17+$0xFFFFFFC0];
	[tilespmem:s28+$0xFFFFFFD0] =	vst @!p1 v10  }
.Ltmp17:
0x1c7: {  	v11 =	vmul.f32 @!p1 v11, v7;
	(xrf2) =	vadd.scan.msk.f32 $0xffff, v14;
	v10 =	vld @!p0 [tilespmem:s17+$0xFFFFFFD0];
	[tilespmem:s28+$0xFFFFFFE0] =	vst @!p1 v8;
	(pc) =	sbr.rel @p3 .LBB2_17-.Ltmp17, $4  }
0x1c8: {  	v12 =	vmul.f32 @!p1 v12, v7;
	v8 =	vld @!p0 [tilespmem:s17+$0xFFFFFFE0];
	[tilespmem:s28+$0x0] =	vst @!p1 v9  }
0x1c9: {  	v18 =	vbroadcast @!p0 v5, $0xF;
	v5 =	vmov v6;
	v17, _, _ =	vpop (xrf2);
	s29 =	spop (v2sf);
	v9 =	vld @!p0 [tilespmem:s17+$0x0];
	[tilespmem:s28+$0x10] =	vst @!p1 v11;
	v16 =	vmul.f32 @!p1 v16, v7  }
0x1ca: {  	v6 =	vmovc v4;
	(v2sf) =	vpush v17, $0xF;
	p2 =	slt.f32 s29, $1.000000000e+00;
	p4 =	sgt.f32 s29, $1.000000000e+00;
	v11 =	vld @!p0 [tilespmem:s17+$0x10];
	v14 =	vmul.f32 @!p1 v13, v7;
	[tilespmem:s28+$0x20] =	vst @!p1 v12;
	v4 =	vmov v17  }
0x1cb: {  	v7 =	vmov v18;
	v13 =	vmul.f32 @!p0 v15, v18;
	v12 =	vld @!p0 [tilespmem:s17+$0x20];
	[tilespmem:s28+$0x30] =	vst @!p1 v16  }
.Ltmp18:
0x1cc: {  	_ = 	snop;
	(pc) =	sbr.rel .LBB2_18-.Ltmp18, $1  }
0x1cd: {  	_ =	sdelay $0x3  }
.LBB2_20:
0x1ce: {  	s7 =	sshll.u32 s12, $0xE  }
0x1cf: {  	s7 =	sadd.s32 s8, s7  }
0x1d0: {  	s7 =	sshrl.u32 s7, $0x3  }
0x1d1: {  	p0 =	seq.s32 s0, $0x9;
	s7 =	sadd.s32 s3, s7  }
0x1d2: {  	[hbm4b:s7+s4] =	stream.linear.scatter [tilespmem:s18], [sflag:$0x8], $0x4000, $0x38;
	[tilespmem:$0x17800] =	vst v63  }
0x1d3: {  	s7 =	simm.s32 @!p0 $0x6  }
0x1d4: {  	s10 =	smul.u32 @!p0 $0xA00, s0;
	_ =	swait.ge @!p0 [sflag:s7], $0x4000  }
0x1d5: {  	[sflag:s7] =	ssyncset.done @!p0 $0x0  }
0x1d6: {  	s12 =	simm.s32 @!p0 $0x80;
	[sflag:s7] =	ssyncadd.s32 @!p0 $0xFFFFC000;
	s7 =	sshra.s32 @!p0 s10, $0x2  }
.Ltmp19:
0x1d7: {  	s16 =	simm.s32 @!p0 $0x3800;
	s10 =	sadd.s32 @!p0 $0x280, s7;
	(pc) =	sbr.rel .LBB2_21-.Ltmp19, $4  }
0x1d8: {  	[tilespmem:s16], [sflag:$0x1] =	stream.indirect.gather @!p0 [hbm4b:s2+s12], $0x80, s10, s12, $0xb8;
	[tilespmem:$0x17800] =	vst v63  }
0x1d9: {  	_ =	swait.ge [sflag:s24], $0x4000  }
0x1da: {  	v2 =	vmov s6;
	s6 =	simm.s32 $0x0;
	[sflag:s24] =	ssyncset.done $0x0  }
0x1db: {  	s10 =	simm.s32 $0x0;
	s12 =	simm.s32 $0xF840;
	[sflag:s24] =	ssyncadd.s32 $0xFFFFC000  }
.LBB2_24:
0x1dc: {  	[tilespmem:s26+$0xFFFFFFF0] =	vst @!p2 v14;
	p4 =	por p1, p1;
	p3 =	por p5, p3;
	v3 =	vmul.f32 @!p1 v10, v7  }
0x1dd: {  	s17 =	sadd.s32 $0x80, s16;
	[tilespmem:s16+$0xFFFFFFC0] =	vst @!p4 v13;
	p2 =	por !p3, !p3;
	v10 =	vld @!p4 [tilespmem:s16+$0xFFFFFFF0];
	v8 =	vmul.f32 @!p4 v8, v7  }
0x1de: {  	v13 =	vld @!p2 [tilespmem:s17+$0xFFFFFFC0];
	[tilespmem:s16+$0xFFFFFFD0] =	vst @!p4 v3  }
0x1df: {  	v3 =	vld @!p2 [tilespmem:s17+$0xFFFFFFD0];
	[tilespmem:s16+$0xFFFFFFE0] =	vst @!p4 v8  }
0x1e0: {  	v8 =	vld @!p2 [tilespmem:s17+$0xFFFFFFE0]  }
0x1e1: {  	v9 =	vmul.f32 @!p4 v9, v7  }
0x1e2: {  	v11 =	vmul.f32 @!p4 v11, v7  }
0x1e3: {  	v14 =	vld @!p1 [tilespmem:s16+$0x30];
	s28 =	spop (v2sf);
	v12 =	vmul.f32 @!p4 v12, v7;
	v5 =	vbroadcast @!p2 v5, $0xF;
	[tilespmem:s16+$0x0] =	vst @!p4 v9  }
0x1e4: {  	p5 =	slt.f32 s28, $1.000000000e+00;
	p6 =	sgt.f32 s28, $1.000000000e+00;
	p3 =	por p2, p2;
	v9 =	vld @!p2 [tilespmem:s17+$0x0];
	[tilespmem:s16+$0x10] =	vst @!p4 v11;
	v10 =	vmul.f32 @!p4 v10, v7  }
0x1e5: {  	v11 =	vld @!p2 [tilespmem:s17+$0x10];
	[tilespmem:s16+$0x20] =	vst @!p4 v12;
	v12 =	vmul.f32 @!p2 v13, v5;
	v8 =	vmul.f32 @!p3 v8, v5  }
0x1e6: {  	p1 =	por p6, p5;
	v13 =	vld @!p2 [tilespmem:s17+$0x20];
	[tilespmem:s16+$0xFFFFFFF0] =	vst @!p4 v10;
	v3 =	vmul.f32 @!p2 v3, v5  }
0x1e7: {  	s26 =	sadd.s32 $0x80, s17;
	p1 =	por !p1, !p1;
	[tilespmem:s17+$0xFFFFFFC0] =	vst @!p3 v12  }
0x1e8: {  	v10 =	vld @!p1 [tilespmem:s26+$0xFFFFFFC0];
	[tilespmem:s17+$0xFFFFFFD0] =	vst @!p3 v3  }
0x1e9: {  	v3 =	vmul.f32 @!p4 v14, v7;
	v7 =	vld @!p1 [tilespmem:s26+$0xFFFFFFD0];
	[tilespmem:s17+$0xFFFFFFE0] =	vst @!p3 v8;
	v8, _, _ =	vpop (xrf2)  }
0x1ea: {  	(v2sf) =	vpush v8, $0xF;
	_ =	sdelay $0x2  }
0x1eb: {  	v12 =	vld @!p3 [tilespmem:s17+$0xFFFFFFF0]  }
0x1ec: {  	v9 =	vmul.f32 @!p3 v9, v5;
	[tilespmem:s16+$0x30] =	vst @!p4 v3  }
0x1ed: {  	v11 =	vmul.f32 @!p3 v11, v5;
	v14 =	vld @!p2 [tilespmem:s17+$0x30]  }
0x1ee: {  	v3 =	vld @!p1 [tilespmem:s26+$0xFFFFFFE0];
	[tilespmem:s17+$0x0] =	vst @!p3 v9  }
0x1ef: {  	v6 =	vbroadcast @!p1 v6, $0xF;
	s29 =	spop (v2sf);
	v13 =	vmul.f32 @!p3 v13, v5;
	v9 =	vld @!p1 [tilespmem:s26+$0x0];
	[tilespmem:s17+$0x10] =	vst @!p3 v11  }
0x1f0: {  	p5 =	slt.f32 s29, $1.000000000e+00;
	p6 =	sgt.f32 s29, $1.000000000e+00;
	v12 =	vmul.f32 @!p3 v12, v5;
	v11 =	vld @!p1 [tilespmem:s26+$0x10]  }
0x1f1: {  	[tilespmem:s17+$0x20] =	vst @!p3 v13;
	v10 =	vmul.f32 @!p1 v10, v6  }
0x1f2: {  	p4 =	por p6, p5;
	p2 =	por p1, p1;
	v13 =	vld @!p1 [tilespmem:s26+$0x20];
	[tilespmem:s17+$0xFFFFFFF0] =	vst @!p3 v12;
	v5 =	vmul.f32 @!p3 v14, v5  }
0x1f3: {  	s16 =	sadd.s32 $0x80, s26;
	p4 =	por !p4, !p4;
	v7 =	vmul.f32 @!p1 v7, v6;
	[tilespmem:s26+$0xFFFFFFC0] =	vst @!p2 v10;
	v12 =	vld @!p2 [tilespmem:s26+$0xFFFFFFF0]  }
0x1f4: {  	v3 =	vmul.f32 @!p2 v3, v6;
	v10 =	vld @!p4 [tilespmem:s16+$0xFFFFFFC0];
	[tilespmem:s17+$0x30] =	vst @!p3 v5  }
0x1f5: {  	[tilespmem:s26+$0xFFFFFFD0] =	vst @!p2 v7;
	v9 =	vmul.f32 @!p2 v9, v6;
	v5 =	vmul.f32 @!p2 v11, v6;
	v11 =	vld @!p1 [tilespmem:s26+$0x30]  }
0x1f6: {  	v7 =	vld @!p4 [tilespmem:s16+$0xFFFFFFD0];
	[tilespmem:s26+$0xFFFFFFE0] =	vst @!p2 v3  }
0x1f7: {  	v4 =	vbroadcast @!p4 v4, $0xF;
	v3 =	vld @!p4 [tilespmem:s16+$0xFFFFFFE0];
	[tilespmem:s26+$0x0] =	vst @!p2 v9;
	v13 =	vmul.f32 @!p2 v13, v6;
	s30 =	spop (v2sf)  }
0x1f8: {  	v9 =	vld @!p4 [tilespmem:s16+$0x0];
	[tilespmem:s26+$0x10] =	vst @!p2 v5;
	v12 =	vmul.f32 @!p2 v12, v6;
	p5 =	slt.f32 s30, $1.000000000e+00;
	p6 =	sgt.f32 s30, $1.000000000e+00  }
0x1f9: {  	v5 =	vld @!p4 [tilespmem:s16+$0x10];
	[tilespmem:s26+$0x20] =	vst @!p2 v13;
	v10 =	vmul.f32 @!p4 v10, v4  }
0x1fa: {  	p1 =	por p4, p4;
	v13 =	vld @!p4 [tilespmem:s16+$0x20];
	[tilespmem:s26+$0xFFFFFFF0] =	vst @!p2 v12;
	v6 =	vmul.f32 @!p2 v11, v6;
	p3 =	por p6, p5  }
0x1fb: {  	s17 =	sadd.s32 $0x80, s16;
	v7 =	vmul.f32 @!p4 v7, v4;
	[tilespmem:s16+$0xFFFFFFC0] =	vst @!p1 v10;
	p3 =	por !p3, !p3  }
0x1fc: {  	[tilespmem:s26+$0x30] =	vst @!p2 v6;
	v10 =	vld @!p3 [tilespmem:s17+$0xFFFFFFC0]  }
0x1fd: {  	[tilespmem:s16+$0xFFFFFFD0] =	vst @!p1 v7;
	v7 =	vld @!p4 [tilespmem:s16+$0x30]  }
0x1fe: {  	v3 =	vmul.f32 @!p1 v3, v4;
	v11 =	vld @!p1 [tilespmem:s16+$0xFFFFFFF0]  }
0x1ff: {  	v9 =	vmul.f32 @!p1 v9, v4  }
0x200: {  	v5 =	vmul.f32 @!p1 v5, v4;
	v6 =	vld @!p3 [tilespmem:s17+$0xFFFFFFD0];
	[tilespmem:s16+$0xFFFFFFE0] =	vst @!p1 v3  }
0x201: {  	v12 =	vmul.f32 @!p1 v13, v4;
	v3 =	vld @!p3 [tilespmem:s17+$0xFFFFFFE0];
	[tilespmem:s16+$0x0] =	vst @!p1 v9  }
0x202: {  	v8 =	vbroadcast @!p3 v8, $0xF;
	v9 =	vld @!p3 [tilespmem:s17+$0x0];
	[tilespmem:s16+$0x10] =	vst @!p1 v5;
	v7 =	vmul.f32 @!p1 v7, v4  }
0x203: {  	v5 =	vld @!p3 [tilespmem:s17+$0x10];
	[tilespmem:s16+$0x20] =	vst @!p1 v12;
	v4 =	vmul.f32 @!p1 v11, v4  }
0x204: {  	v11 =	vld @!p3 [tilespmem:s17+$0x20];
	v10 =	vmul.f32 @!p3 v10, v8;
	[tilespmem:s16+$0x30] =	vst @!p1 v7  }
0x205: {  	v6 =	vmul.f32 @!p3 v6, v8;
	[tilespmem:s16+$0xFFFFFFF0] =	vst @!p1 v4;
	p1 =	por p3, p3;
	v7 =	vld @!p3 [tilespmem:s17+$0x30]  }
0x206: {  	[tilespmem:s17+$0xFFFFFFC0] =	vst @!p1 v10;
	v3 =	vmul.f32 @!p1 v3, v8;
	v4 =	vld @!p1 [tilespmem:s17+$0xFFFFFFF0]  }
0x207: {  	[tilespmem:s17+$0xFFFFFFD0] =	vst @!p1 v6;
	v6 =	vmul.f32 @!p1 v9, v8  }
0x208: {  	[tilespmem:s17+$0xFFFFFFE0] =	vst @!p1 v3;
	v3 =	vmul.f32 @!p1 v5, v8  }
0x209: {  	[tilespmem:s17+$0x0] =	vst @!p1 v6;
	v5 =	vmul.f32 @!p1 v11, v8  }
0x20a: {  	[tilespmem:s17+$0x10] =	vst @!p1 v3;
	v3 =	vmul.f32 @!p1 v7, v8  }
0x20b: {  	[tilespmem:s17+$0x20] =	vst @!p1 v5;
	v4 =	vmul.f32 @!p1 v4, v8  }
0x20c: {  	[tilespmem:s17+$0x30] =	vst @!p1 v3  }
0x20d: {  	[tilespmem:s17+$0xFFFFFFF0] =	vst @!p1 v4  }
.LBB2_25:
0x20e: {  	s6 =	sadd.s32 $0x1, s6  }
0x20f: {  	p1 =	sne.s32 s6, $0x8  }
.Ltmp20:
0x210: {  	_ = 	snop;
	(pc) =	sbr.rel @!p1 .LBB2_26-.Ltmp20, $2  }
0x211: {  	_ =	sdelay $0x2  }
0x212: {  	s12 =	sadd.s32 $0x800, s12  }
.LBB2_21:
0x213: {  	_ =	sdelay $0x2  }
0x214: {  	s16 =	sshll.u32 s6, $0x4  }
0x215: {  	v3 =	vld.idx.msk [tilespmem:v2+s16+$0x0 ss:$0x1], $0xffff  }
0x216: {  	v4 =	vld.idx.msk [tilespmem:v2+s16+$0x1C00 ss:$0x1], $0xffff;
	_ =	sdelay $0x3  }
0x217: {  	vm0 =	veq.s32 v3, $0x0  }
0x218: {  	v3 =	vsel vm0, $0x0, v4  }
0x219: {  	vm0 =	vlt.f32 v3, $1.000000000e+00;
	vm1 =	vgt.f32 v3, $1.000000000e+00  }
0x21a: {  	vm0 =	vmor vm1, vm0  }
0x21b: {  	v4 =	vsel vm0, $0x3F800000, v0  }
0x21c: {  	(xrf0) =	vmax.scan.msk.f32 $0xffff, v4;
	_ =	sdelay $0x5  }
0x21d: {  	v4, _, _ =	vpop (xrf0)  }
0x21e: {  	(v2sf) =	vpush v4, $0xF;
	_ =	sdelay $0xe  }
0x21f: {  	s30 =	spop (v2sf)  }
0x220: {  	p1 =	sgt.f32 s30, $0.0e+00  }
.Ltmp21:
0x221: {  	_ = 	snop;
	(pc) =	sbr.rel @!p1 .LBB2_25-.Ltmp21, $1  }
0x222: {  	_ =	sdelay $0x3  }
0x223: {  	v4 =	vmov s10  }
0x224: {  	vm0 =	veq.s32 v4, v1  }
0x225: {  	v4 =	vnsel vm0, $0x0, v3  }
0x226: {  	(xrf2) =	vadd.scan.msk.f32 $0xffff, v4;
	_ =	sdelay $0x3  }
0x227: {  	s16 =	simm.s32 $0x1  }
0x228: {  	v4 =	vmov s16  }
0x229: {  	vm11 =	veq.s32 v4, v1  }
0x22a: {  	v4 =	vnsel vm11, $0x0, v3;
	_ =	sdelay $0x2  }
0x22b: {  	(xrf2) =	vadd.scan.msk.f32 $0xffff, v4;
	v4, _, _ =	vpop (xrf2)  }
0x22c: {  	(v2sf) =	vpush v4, $0xF;
	_ =	sdelay $0xa  }
0x22d: {  	s17 =	simm.s32 $0x2  }
0x22e: {  	v5 =	vmov s17;
	v7, _, _ =	vpop (xrf2)  }
0x22f: {  	vm12 =	veq.s32 v5, v1;
	(v2sf) =	vpush v7, $0xF  }
0x230: {  	v5 =	vnsel vm12, $0x0, v3  }
0x231: {  	(xrf2) =	vadd.scan.msk.f32 $0xffff, v5;
	s26 =	spop (v2sf)  }
0x232: {  	p1 =	slt.f32 s26, $1.000000000e+00;
	p2 =	sgt.f32 s26, $1.000000000e+00  }
0x233: {  	_ = 	snop  }
0x234: {  	p1 =	por p2, p1  }
0x235: {  	s28 =	simm.s32 $0x3;
	p3 =	por !p1, !p1  }
0x236: {  	v6 =	vld @!p3 [tilespmem:s12+$0xFFFFFFC0];
	v13 =	vbroadcast @!p3 v4, $0xF;
	v4 =	vmov s28  }
0x237: {  	vm13 =	veq.s32 v4, v1  }
0x238: {  	v10 =	vnsel vm13, $0x0, v3  }
0x239: {  	(xrf2) =	vadd.scan.msk.f32 $0xffff, v10  }
0x23a: {  	s29 =	simm.s32 $0x4  }
0x23b: {  	v5, _, _ =	vpop (xrf2);
	v8 =	vld @!p3 [tilespmem:s12+$0xFFFFFFD0];
	v4 =	vmov s29;
	v6 =	vmul.f32 @!p3 v6, v13  }
0x23c: {  	(v2sf) =	vpush v5, $0xF;
	v9 =	vld @!p3 [tilespmem:s12+$0xFFFFFFE0];
	p2 =	por p3, p3;
	vm14 =	veq.s32 v4, v1  }
0x23d: {  	v11 =	vld @!p3 [tilespmem:s12+$0x0];
	[tilespmem:s12+$0xFFFFFFC0] =	vst @!p2 v6;
	v6 =	vnsel vm14, $0x0, v3  }
0x23e: {  	s17 =	spop (v2sf);
	(xrf2) =	vadd.scan.msk.f32 $0xffff, v6;
	v6 =	vld @!p3 [tilespmem:s12+$0x20]  }
0x23f: {  	p6 =	slt.f32 s17, $1.000000000e+00;
	p4 =	sgt.f32 s17, $1.000000000e+00  }
0x240: {  	v4 =	vld @!p3 [tilespmem:s12+$0x10]  }
0x241: {  	p1 =	por p4, p6;
	v8 =	vmul.f32 @!p3 v8, v13  }
0x242: {  	s16 =	sadd.s32 $0x80, s12;
	v12 =	vld @!p3 [tilespmem:s12+$0x30];
	p1 =	por !p1, !p1;
	v9 =	vmul.f32 @!p2 v9, v13  }
0x243: {  	v11 =	vmul.f32 @!p2 v11, v13;
	v15 =	vld @!p1 [tilespmem:s16+$0xFFFFFFC0];
	[tilespmem:s12+$0xFFFFFFD0] =	vst @!p2 v8;
	v16 =	vmul.f32 @!p2 v6, v13;
	v6, _, _ =	vpop (xrf2)  }
0x244: {  	s30 =	simm.s32 $0x5;
	v10 =	vld @!p1 [tilespmem:s16+$0xFFFFFFD0];
	[tilespmem:s12+$0xFFFFFFE0] =	vst @!p2 v9;
	(v2sf) =	vpush v6, $0xF  }
0x245: {  	v4 =	vmul.f32 @!p2 v4, v13;
	v8 =	vld @!p1 [tilespmem:s16+$0xFFFFFFE0];
	[tilespmem:s12+$0x0] =	vst @!p2 v11;
	v11 =	vmov s30  }
0x246: {  	v14 =	vld @!p2 [tilespmem:s12+$0xFFFFFFF0];
	vm15 =	veq.s32 v11, v1  }
0x247: {  	v9 =	vld @!p1 [tilespmem:s16+$0x0];
	[tilespmem:s12+$0x10] =	vst @!p2 v4;
	v4 =	vnsel vm15, $0x0, v3;
	_ =	sdelay $0x1  }
0x248: {  	(xrf2) =	vadd.scan.msk.f32 $0xffff, v4  }
0x249: {  	v4, _, _ =	vpop (xrf2)  }
0x24a: {  	v7 =	vbroadcast @!p1 v7, $0xF;
	v17 =	vmul.f32 @!p2 v12, v13;
	s26 =	spop (v2sf);
	(v2sf) =	vpush v4, $0xF  }
0x24b: {  	v14 =	vmul.f32 @!p2 v14, v13;
	p3 =	slt.f32 s26, $1.000000000e+00;
	p5 =	sgt.f32 s26, $1.000000000e+00;
	v11 =	vld @!p1 [tilespmem:s16+$0x10];
	[tilespmem:s12+$0x20] =	vst @!p2 v16  }
0x24c: {  	s17 =	simm.s32 $0x6;
	s26 =	smov.u32 s12;
	v13 =	vmul.f32 @!p1 v15, v7;
	v12 =	vld @!p1 [tilespmem:s16+$0x20];
	[tilespmem:s12+$0x30] =	vst @!p2 v17  }
.LBB2_23:
0x24d: {  	v15 =	vmov s17;
	p3 =	por p5, p3;
	v10 =	vmul.f32 @!p1 v10, v7;
	v16 =	vld @!p1 [tilespmem:s16+$0x30];
	[tilespmem:s26+$0xFFFFFFF0] =	vst @!p2 v14;
	s26 =	smov.u32 s16;
	p2 =	por p1, p1  }
0x24e: {  	s16 =	sadd.s32 $0x80, s16;
	s17 =	sadd.s32 $0x1, s17;
	vm0 =	veq.s32 v15, v1;
	p1 =	por !p3, !p3;
	[tilespmem:s26+$0xFFFFFFC0] =	vst @!p2 v13;
	v8 =	vmul.f32 @!p2 v8, v7;
	v13 =	vld @!p2 [tilespmem:s26+$0xFFFFFFF0]  }
0x24f: {  	v9 =	vmul.f32 @!p2 v9, v7;
	p4 =	sne.s32 s17, $0x10;
	v14 =	vnsel vm0, $0x0, v3;
	v15 =	vld @!p1 [tilespmem:s16+$0xFFFFFFC0];
	[tilespmem:s26+$0xFFFFFFD0] =	vst @!p2 v10  }
.Ltmp22:
0x250: {  	v11 =	vmul.f32 @!p2 v11, v7;
	(xrf2) =	vadd.scan.msk.f32 $0xffff, v14;
	v10 =	vld @!p1 [tilespmem:s16+$0xFFFFFFD0];
	[tilespmem:s26+$0xFFFFFFE0] =	vst @!p2 v8;
	(pc) =	sbr.rel @p4 .LBB2_23-.Ltmp22, $4  }
0x251: {  	v12 =	vmul.f32 @!p2 v12, v7;
	v8 =	vld @!p1 [tilespmem:s16+$0xFFFFFFE0];
	[tilespmem:s26+$0x0] =	vst @!p2 v9  }
0x252: {  	v18 =	vbroadcast @!p1 v5, $0xF;
	v5 =	vmov v6;
	v17, _, _ =	vpop (xrf2);
	s28 =	spop (v2sf);
	v9 =	vld @!p1 [tilespmem:s16+$0x0];
	[tilespmem:s26+$0x10] =	vst @!p2 v11;
	v16 =	vmul.f32 @!p2 v16, v7  }
0x253: {  	v6 =	vmovc v4;
	(v2sf) =	vpush v17, $0xF;
	p3 =	slt.f32 s28, $1.000000000e+00;
	p5 =	sgt.f32 s28, $1.000000000e+00;
	v11 =	vld @!p1 [tilespmem:s16+$0x10];
	v14 =	vmul.f32 @!p2 v13, v7;
	[tilespmem:s26+$0x20] =	vst @!p2 v12;
	v4 =	vmov v17  }
0x254: {  	v7 =	vmov v18;
	v13 =	vmul.f32 @!p1 v15, v18;
	v12 =	vld @!p1 [tilespmem:s16+$0x20];
	[tilespmem:s26+$0x30] =	vst @!p2 v16  }
.Ltmp23:
0x255: {  	_ = 	snop;
	(pc) =	sbr.rel .LBB2_24-.Ltmp23, $1  }
0x256: {  	_ =	sdelay $0x3  }
.LBB2_26:
0x257: {  	s6 =	sshll.u32 s11, $0xE  }
0x258: {  	s6 =	sadd.s32 s8, s6  }
0x259: {  	s6 =	sshrl.u32 s6, $0x3  }
0x25a: {  	s6 =	sadd.s32 s3, s6  }
0x25b: {  	[hbm4b:s6+s4] =	stream.linear.scatter [tilespmem:s20], [sflag:$0x9], $0x4000, $0x38;
	[tilespmem:$0x17800] =	vst v63  }
0x25c: {  	s6 =	simm.s32 @!p0 $0x7  }
0x25d: {  	_ =	swait.ge @!p0 [sflag:s6], $0x4000  }
0x25e: {  	[sflag:s6] =	ssyncset.done @!p0 $0x0  }
0x25f: {  	s10 =	simm.s32 @!p0 $0x7800;
	[sflag:s6] =	ssyncadd.s32 @!p0 $0xFFFFC000  }
.Ltmp24:
0x260: {  	s6 =	sadd.s32 @!p0 $0x300, s7;
	s7 =	simm.s32 @!p0 $0x80;
	(pc) =	sbr.rel .LBB2_27-.Ltmp24, $4  }
0x261: {  	[tilespmem:s10], [sflag:$0x2] =	stream.indirect.gather @!p0 [hbm4b:s2+s7], $0x80, s6, s7, $0xb8;
	[tilespmem:$0x17800] =	vst v63  }
0x262: {  	_ =	swait.ge [sflag:s25], $0x4000  }
0x263: {  	v2 =	vmov s9;
	s9 =	simm.s32 $0x0;
	[sflag:s25] =	ssyncset.done $0x0  }
0x264: {  	s6 =	simm.s32 $0x0;
	s7 =	simm.s32 $0x13840;
	[sflag:s25] =	ssyncadd.s32 $0xFFFFC000  }
.LBB2_30:
0x265: {  	[tilespmem:s12+$0xFFFFFFF0] =	vst @!p1 v14;
	p3 =	por p0, p0;
	p4 =	por p4, p2;
	v3 =	vmul.f32 @!p0 v10, v7  }
0x266: {  	s11 =	sadd.s32 $0x80, s10;
	[tilespmem:s10+$0xFFFFFFC0] =	vst @!p3 v13;
	p1 =	por !p4, !p4;
	v10 =	vld @!p3 [tilespmem:s10+$0xFFFFFFF0];
	v8 =	vmul.f32 @!p3 v8, v7  }
0x267: {  	v13 =	vld @!p1 [tilespmem:s11+$0xFFFFFFC0];
	[tilespmem:s10+$0xFFFFFFD0] =	vst @!p3 v3  }
0x268: {  	v3 =	vld @!p1 [tilespmem:s11+$0xFFFFFFD0];
	[tilespmem:s10+$0xFFFFFFE0] =	vst @!p3 v8  }
0x269: {  	v8 =	vld @!p1 [tilespmem:s11+$0xFFFFFFE0]  }
0x26a: {  	v9 =	vmul.f32 @!p3 v9, v7  }
0x26b: {  	v11 =	vmul.f32 @!p3 v11, v7  }
0x26c: {  	v14 =	vld @!p0 [tilespmem:s10+$0x30];
	s28 =	spop (v2sf);
	v12 =	vmul.f32 @!p3 v12, v7;
	v5 =	vbroadcast @!p1 v5, $0xF;
	[tilespmem:s10+$0x0] =	vst @!p3 v9  }
0x26d: {  	p5 =	slt.f32 s28, $1.000000000e+00;
	p6 =	sgt.f32 s28, $1.000000000e+00;
	p2 =	por p1, p1;
	v9 =	vld @!p1 [tilespmem:s11+$0x0];
	[tilespmem:s10+$0x10] =	vst @!p3 v11;
	v10 =	vmul.f32 @!p3 v10, v7  }
0x26e: {  	v11 =	vld @!p1 [tilespmem:s11+$0x10];
	[tilespmem:s10+$0x20] =	vst @!p3 v12;
	v12 =	vmul.f32 @!p1 v13, v5;
	v8 =	vmul.f32 @!p2 v8, v5  }
0x26f: {  	p0 =	por p6, p5;
	v13 =	vld @!p1 [tilespmem:s11+$0x20];
	[tilespmem:s10+$0xFFFFFFF0] =	vst @!p3 v10;
	v3 =	vmul.f32 @!p1 v3, v5  }
0x270: {  	s12 =	sadd.s32 $0x80, s11;
	p0 =	por !p0, !p0;
	[tilespmem:s11+$0xFFFFFFC0] =	vst @!p2 v12  }
0x271: {  	v10 =	vld @!p0 [tilespmem:s12+$0xFFFFFFC0];
	[tilespmem:s11+$0xFFFFFFD0] =	vst @!p2 v3  }
0x272: {  	v3 =	vmul.f32 @!p3 v14, v7;
	v7 =	vld @!p0 [tilespmem:s12+$0xFFFFFFD0];
	[tilespmem:s11+$0xFFFFFFE0] =	vst @!p2 v8;
	v8, _, _ =	vpop (xrf2)  }
0x273: {  	(v2sf) =	vpush v8, $0xF;
	_ =	sdelay $0x2  }
0x274: {  	v12 =	vld @!p2 [tilespmem:s11+$0xFFFFFFF0]  }
0x275: {  	v9 =	vmul.f32 @!p2 v9, v5;
	[tilespmem:s10+$0x30] =	vst @!p3 v3  }
0x276: {  	v11 =	vmul.f32 @!p2 v11, v5;
	v14 =	vld @!p1 [tilespmem:s11+$0x30]  }
0x277: {  	v3 =	vld @!p0 [tilespmem:s12+$0xFFFFFFE0];
	[tilespmem:s11+$0x0] =	vst @!p2 v9  }
0x278: {  	v6 =	vbroadcast @!p0 v6, $0xF;
	s29 =	spop (v2sf);
	v13 =	vmul.f32 @!p2 v13, v5;
	v9 =	vld @!p0 [tilespmem:s12+$0x0];
	[tilespmem:s11+$0x10] =	vst @!p2 v11  }
0x279: {  	p4 =	sgt.f32 s29, $1.000000000e+00;
	p3 =	slt.f32 s29, $1.000000000e+00;
	v12 =	vmul.f32 @!p2 v12, v5;
	v11 =	vld @!p0 [tilespmem:s12+$0x10]  }
0x27a: {  	[tilespmem:s11+$0x20] =	vst @!p2 v13;
	v10 =	vmul.f32 @!p0 v10, v6  }
0x27b: {  	p1 =	por p0, p0;
	p3 =	por p4, p3;
	v13 =	vld @!p0 [tilespmem:s12+$0x20];
	[tilespmem:s11+$0xFFFFFFF0] =	vst @!p2 v12;
	v5 =	vmul.f32 @!p2 v14, v5  }
0x27c: {  	s10 =	sadd.s32 $0x80, s12;
	p3 =	por !p3, !p3;
	v7 =	vmul.f32 @!p0 v7, v6;
	[tilespmem:s12+$0xFFFFFFC0] =	vst @!p1 v10;
	v12 =	vld @!p1 [tilespmem:s12+$0xFFFFFFF0]  }
0x27d: {  	v3 =	vmul.f32 @!p1 v3, v6;
	v10 =	vld @!p3 [tilespmem:s10+$0xFFFFFFC0];
	[tilespmem:s11+$0x30] =	vst @!p2 v5  }
0x27e: {  	[tilespmem:s12+$0xFFFFFFD0] =	vst @!p1 v7;
	v9 =	vmul.f32 @!p1 v9, v6;
	v5 =	vmul.f32 @!p1 v11, v6;
	v11 =	vld @!p0 [tilespmem:s12+$0x30]  }
0x27f: {  	v7 =	vld @!p3 [tilespmem:s10+$0xFFFFFFD0];
	[tilespmem:s12+$0xFFFFFFE0] =	vst @!p1 v3  }
0x280: {  	v4 =	vbroadcast @!p3 v4, $0xF;
	v3 =	vld @!p3 [tilespmem:s10+$0xFFFFFFE0];
	[tilespmem:s12+$0x0] =	vst @!p1 v9;
	v13 =	vmul.f32 @!p1 v13, v6;
	s30 =	spop (v2sf)  }
0x281: {  	v9 =	vld @!p3 [tilespmem:s10+$0x0];
	[tilespmem:s12+$0x10] =	vst @!p1 v5;
	v12 =	vmul.f32 @!p1 v12, v6;
	p5 =	slt.f32 s30, $1.000000000e+00;
	p6 =	sgt.f32 s30, $1.000000000e+00  }
0x282: {  	v5 =	vld @!p3 [tilespmem:s10+$0x10];
	[tilespmem:s12+$0x20] =	vst @!p1 v13;
	v10 =	vmul.f32 @!p3 v10, v4  }
0x283: {  	p0 =	por p3, p3;
	v13 =	vld @!p3 [tilespmem:s10+$0x20];
	[tilespmem:s12+$0xFFFFFFF0] =	vst @!p1 v12;
	v6 =	vmul.f32 @!p1 v11, v6;
	p2 =	por p6, p5  }
0x284: {  	s11 =	sadd.s32 $0x80, s10;
	v7 =	vmul.f32 @!p3 v7, v4;
	[tilespmem:s10+$0xFFFFFFC0] =	vst @!p0 v10;
	p2 =	por !p2, !p2  }
0x285: {  	[tilespmem:s12+$0x30] =	vst @!p1 v6;
	v10 =	vld @!p2 [tilespmem:s11+$0xFFFFFFC0]  }
0x286: {  	[tilespmem:s10+$0xFFFFFFD0] =	vst @!p0 v7;
	v7 =	vld @!p3 [tilespmem:s10+$0x30]  }
0x287: {  	v3 =	vmul.f32 @!p0 v3, v4;
	v11 =	vld @!p0 [tilespmem:s10+$0xFFFFFFF0]  }
0x288: {  	v9 =	vmul.f32 @!p0 v9, v4  }
0x289: {  	v5 =	vmul.f32 @!p0 v5, v4;
	v6 =	vld @!p2 [tilespmem:s11+$0xFFFFFFD0];
	[tilespmem:s10+$0xFFFFFFE0] =	vst @!p0 v3  }
0x28a: {  	v12 =	vmul.f32 @!p0 v13, v4;
	v3 =	vld @!p2 [tilespmem:s11+$0xFFFFFFE0];
	[tilespmem:s10+$0x0] =	vst @!p0 v9  }
0x28b: {  	v8 =	vbroadcast @!p2 v8, $0xF;
	v9 =	vld @!p2 [tilespmem:s11+$0x0];
	[tilespmem:s10+$0x10] =	vst @!p0 v5;
	v7 =	vmul.f32 @!p0 v7, v4  }
0x28c: {  	v5 =	vld @!p2 [tilespmem:s11+$0x10];
	[tilespmem:s10+$0x20] =	vst @!p0 v12;
	v4 =	vmul.f32 @!p0 v11, v4  }
0x28d: {  	v11 =	vld @!p2 [tilespmem:s11+$0x20];
	v10 =	vmul.f32 @!p2 v10, v8;
	[tilespmem:s10+$0x30] =	vst @!p0 v7  }
0x28e: {  	v6 =	vmul.f32 @!p2 v6, v8;
	[tilespmem:s10+$0xFFFFFFF0] =	vst @!p0 v4;
	p0 =	por p2, p2;
	v7 =	vld @!p2 [tilespmem:s11+$0x30]  }
0x28f: {  	[tilespmem:s11+$0xFFFFFFC0] =	vst @!p0 v10;
	v3 =	vmul.f32 @!p0 v3, v8;
	v4 =	vld @!p0 [tilespmem:s11+$0xFFFFFFF0]  }
0x290: {  	[tilespmem:s11+$0xFFFFFFD0] =	vst @!p0 v6;
	v6 =	vmul.f32 @!p0 v9, v8  }
0x291: {  	[tilespmem:s11+$0xFFFFFFE0] =	vst @!p0 v3;
	v3 =	vmul.f32 @!p0 v5, v8  }
0x292: {  	[tilespmem:s11+$0x0] =	vst @!p0 v6;
	v5 =	vmul.f32 @!p0 v11, v8  }
0x293: {  	[tilespmem:s11+$0x10] =	vst @!p0 v3;
	v3 =	vmul.f32 @!p0 v7, v8  }
0x294: {  	[tilespmem:s11+$0x20] =	vst @!p0 v5;
	v4 =	vmul.f32 @!p0 v4, v8  }
0x295: {  	[tilespmem:s11+$0x30] =	vst @!p0 v3  }
0x296: {  	[tilespmem:s11+$0xFFFFFFF0] =	vst @!p0 v4  }
.LBB2_31:
0x297: {  	s9 =	sadd.s32 $0x1, s9  }
0x298: {  	p0 =	sne.s32 s9, $0x8  }
.Ltmp25:
0x299: {  	_ = 	snop;
	(pc) =	sbr.rel @!p0 .LBB2_32-.Ltmp25, $2  }
0x29a: {  	_ =	sdelay $0x2  }
0x29b: {  	s7 =	sadd.s32 $0x800, s7  }
.LBB2_27:
0x29c: {  	_ =	sdelay $0x2  }
0x29d: {  	s10 =	sshll.u32 s9, $0x4  }
0x29e: {  	v3 =	vld.idx.msk [tilespmem:v2+s10+$0x0 ss:$0x1], $0xffff  }
0x29f: {  	v4 =	vld.idx.msk [tilespmem:v2+s10+$0x1C00 ss:$0x1], $0xffff;
	_ =	sdelay $0x3  }
0x2a0: {  	vm0 =	veq.s32 v3, $0x0  }
0x2a1: {  	v3 =	vsel vm0, $0x0, v4  }
0x2a2: {  	vm0 =	vlt.f32 v3, $1.000000000e+00;
	vm1 =	vgt.f32 v3, $1.000000000e+00  }
0x2a3: {  	vm0 =	vmor vm1, vm0  }
0x2a4: {  	v4 =	vsel vm0, $0x3F800000, v0  }
0x2a5: {  	(xrf0) =	vmax.scan.msk.f32 $0xffff, v4;
	_ =	sdelay $0x5  }
0x2a6: {  	v4, _, _ =	vpop (xrf0)  }
0x2a7: {  	(v2sf) =	vpush v4, $0xF;
	_ =	sdelay $0xe  }
0x2a8: {  	s30 =	spop (v2sf)  }
0x2a9: {  	p0 =	sgt.f32 s30, $0.0e+00  }
.Ltmp26:
0x2aa: {  	_ = 	snop;
	(pc) =	sbr.rel @!p0 .LBB2_31-.Ltmp26, $1  }
0x2ab: {  	_ =	sdelay $0x3  }
0x2ac: {  	v4 =	vmov s6  }
0x2ad: {  	vm0 =	veq.s32 v4, v1  }
0x2ae: {  	v4 =	vnsel vm0, $0x0, v3  }
0x2af: {  	(xrf2) =	vadd.scan.msk.f32 $0xffff, v4;
	_ =	sdelay $0x3  }
0x2b0: {  	s10 =	simm.s32 $0x1  }
0x2b1: {  	v4 =	vmov s10  }
0x2b2: {  	vm11 =	veq.s32 v4, v1  }
0x2b3: {  	v4 =	vnsel vm11, $0x0, v3;
	_ =	sdelay $0x2  }
0x2b4: {  	(xrf2) =	vadd.scan.msk.f32 $0xffff, v4;
	v4, _, _ =	vpop (xrf2)  }
0x2b5: {  	(v2sf) =	vpush v4, $0xF;
	_ =	sdelay $0xa  }
0x2b6: {  	s17 =	simm.s32 $0x2  }
0x2b7: {  	v5 =	vmov s17;
	v7, _, _ =	vpop (xrf2)  }
0x2b8: {  	vm12 =	veq.s32 v5, v1;
	(v2sf) =	vpush v7, $0xF  }
0x2b9: {  	v5 =	vnsel vm12, $0x0, v3  }
0x2ba: {  	(xrf2) =	vadd.scan.msk.f32 $0xffff, v5;
	s26 =	spop (v2sf)  }
0x2bb: {  	p0 =	slt.f32 s26, $1.000000000e+00;
	p1 =	sgt.f32 s26, $1.000000000e+00  }
0x2bc: {  	_ = 	snop  }
0x2bd: {  	p0 =	por p1, p0  }
0x2be: {  	s28 =	simm.s32 $0x3;
	p2 =	por !p0, !p0  }
0x2bf: {  	v6 =	vld @!p2 [tilespmem:s7+$0xFFFFFFC0];
	v13 =	vbroadcast @!p2 v4, $0xF;
	v4 =	vmov s28  }
0x2c0: {  	vm13 =	veq.s32 v4, v1  }
0x2c1: {  	v10 =	vnsel vm13, $0x0, v3  }
0x2c2: {  	(xrf2) =	vadd.scan.msk.f32 $0xffff, v10  }
0x2c3: {  	s29 =	simm.s32 $0x4  }
0x2c4: {  	v5, _, _ =	vpop (xrf2);
	v8 =	vld @!p2 [tilespmem:s7+$0xFFFFFFD0];
	v4 =	vmov s29;
	v6 =	vmul.f32 @!p2 v6, v13  }
0x2c5: {  	(v2sf) =	vpush v5, $0xF;
	v9 =	vld @!p2 [tilespmem:s7+$0xFFFFFFE0];
	p1 =	por p2, p2;
	vm14 =	veq.s32 v4, v1  }
0x2c6: {  	v11 =	vld @!p2 [tilespmem:s7+$0x0];
	[tilespmem:s7+$0xFFFFFFC0] =	vst @!p1 v6;
	v6 =	vnsel vm14, $0x0, v3  }
0x2c7: {  	s11 =	spop (v2sf);
	(xrf2) =	vadd.scan.msk.f32 $0xffff, v6;
	v6 =	vld @!p2 [tilespmem:s7+$0x20]  }
0x2c8: {  	p6 =	slt.f32 s11, $1.000000000e+00;
	p3 =	sgt.f32 s11, $1.000000000e+00  }
0x2c9: {  	v4 =	vld @!p2 [tilespmem:s7+$0x10]  }
0x2ca: {  	p0 =	por p3, p6;
	v8 =	vmul.f32 @!p2 v8, v13  }
0x2cb: {  	s10 =	sadd.s32 $0x80, s7;
	v12 =	vld @!p2 [tilespmem:s7+$0x30];
	p0 =	por !p0, !p0;
	v9 =	vmul.f32 @!p1 v9, v13  }
0x2cc: {  	v11 =	vmul.f32 @!p1 v11, v13;
	v15 =	vld @!p0 [tilespmem:s10+$0xFFFFFFC0];
	[tilespmem:s7+$0xFFFFFFD0] =	vst @!p1 v8;
	v16 =	vmul.f32 @!p1 v6, v13;
	v6, _, _ =	vpop (xrf2)  }
0x2cd: {  	s30 =	simm.s32 $0x5;
	v10 =	vld @!p0 [tilespmem:s10+$0xFFFFFFD0];
	[tilespmem:s7+$0xFFFFFFE0] =	vst @!p1 v9;
	(v2sf) =	vpush v6, $0xF  }
0x2ce: {  	v4 =	vmul.f32 @!p1 v4, v13;
	v8 =	vld @!p0 [tilespmem:s10+$0xFFFFFFE0];
	[tilespmem:s7+$0x0] =	vst @!p1 v11;
	v11 =	vmov s30  }
0x2cf: {  	v14 =	vld @!p1 [tilespmem:s7+$0xFFFFFFF0];
	vm15 =	veq.s32 v11, v1  }
0x2d0: {  	v9 =	vld @!p0 [tilespmem:s10+$0x0];
	[tilespmem:s7+$0x10] =	vst @!p1 v4;
	v4 =	vnsel vm15, $0x0, v3;
	_ =	sdelay $0x1  }
0x2d1: {  	(xrf2) =	vadd.scan.msk.f32 $0xffff, v4  }
0x2d2: {  	v4, _, _ =	vpop (xrf2)  }
0x2d3: {  	v7 =	vbroadcast @!p0 v7, $0xF;
	v17 =	vmul.f32 @!p1 v12, v13;
	s12 =	spop (v2sf);
	(v2sf) =	vpush v4, $0xF  }
0x2d4: {  	v14 =	vmul.f32 @!p1 v14, v13;
	p2 =	slt.f32 s12, $1.000000000e+00;
	p4 =	sgt.f32 s12, $1.000000000e+00;
	v11 =	vld @!p0 [tilespmem:s10+$0x10];
	[tilespmem:s7+$0x20] =	vst @!p1 v16  }
0x2d5: {  	s11 =	simm.s32 $0x6;
	s12 =	smov.u32 s7;
	v13 =	vmul.f32 @!p0 v15, v7;
	v12 =	vld @!p0 [tilespmem:s10+$0x20];
	[tilespmem:s7+$0x30] =	vst @!p1 v17  }
.LBB2_29:
0x2d6: {  	v15 =	vmov s11;
	p2 =	por p4, p2;
	v10 =	vmul.f32 @!p0 v10, v7;
	v16 =	vld @!p0 [tilespmem:s10+$0x30];
	[tilespmem:s12+$0xFFFFFFF0] =	vst @!p1 v14;
	s12 =	smov.u32 s10;
	p1 =	por p0, p0  }
0x2d7: {  	s10 =	sadd.s32 $0x80, s10;
	s11 =	sadd.s32 $0x1, s11;
	vm0 =	veq.s32 v15, v1;
	p0 =	por !p2, !p2;
	[tilespmem:s12+$0xFFFFFFC0] =	vst @!p1 v13;
	v8 =	vmul.f32 @!p1 v8, v7;
	v13 =	vld @!p1 [tilespmem:s12+$0xFFFFFFF0]  }
0x2d8: {  	v9 =	vmul.f32 @!p1 v9, v7;
	p3 =	sne.s32 s11, $0x10;
	v14 =	vnsel vm0, $0x0, v3;
	v15 =	vld @!p0 [tilespmem:s10+$0xFFFFFFC0];
	[tilespmem:s12+$0xFFFFFFD0] =	vst @!p1 v10  }
.Ltmp27:
0x2d9: {  	v11 =	vmul.f32 @!p1 v11, v7;
	(xrf2) =	vadd.scan.msk.f32 $0xffff, v14;
	v10 =	vld @!p0 [tilespmem:s10+$0xFFFFFFD0];
	[tilespmem:s12+$0xFFFFFFE0] =	vst @!p1 v8;
	(pc) =	sbr.rel @p3 .LBB2_29-.Ltmp27, $4  }
0x2da: {  	v12 =	vmul.f32 @!p1 v12, v7;
	v8 =	vld @!p0 [tilespmem:s10+$0xFFFFFFE0];
	[tilespmem:s12+$0x0] =	vst @!p1 v9  }
0x2db: {  	v18 =	vbroadcast @!p0 v5, $0xF;
	v5 =	vmov v6;
	v17, _, _ =	vpop (xrf2);
	s16 =	spop (v2sf);
	v9 =	vld @!p0 [tilespmem:s10+$0x0];
	[tilespmem:s12+$0x10] =	vst @!p1 v11;
	v16 =	vmul.f32 @!p1 v16, v7  }
0x2dc: {  	v6 =	vmovc v4;
	(v2sf) =	vpush v17, $0xF;
	p2 =	slt.f32 s16, $1.000000000e+00;
	p4 =	sgt.f32 s16, $1.000000000e+00;
	v11 =	vld @!p0 [tilespmem:s10+$0x10];
	v14 =	vmul.f32 @!p1 v13, v7;
	[tilespmem:s12+$0x20] =	vst @!p1 v12;
	v4 =	vmov v17  }
0x2dd: {  	v7 =	vmov v18;
	v13 =	vmul.f32 @!p0 v15, v18;
	v12 =	vld @!p0 [tilespmem:s10+$0x20];
	[tilespmem:s12+$0x30] =	vst @!p1 v16  }
.Ltmp28:
0x2de: {  	_ = 	snop;
	(pc) =	sbr.rel .LBB2_30-.Ltmp28, $1  }
0x2df: {  	_ =	sdelay $0x3  }
.LBB2_34:
0x2e0: {  	_ =	sfence.sel $0x180000  }
0x2e1: {  	[bflag:$0x0] =	sbarrier.arrive $0xFFFF  }
0x2e2: {  	_ =	strace $0x90000047  }
0x2e3: {  	s0 =	stileid.u32;
	[bflag:$0x2] =	sbarrier.arrive $0xFFFF  }
0x2e4: {  	p0 =	sne.s32 s0, $0x0;
	s0 =	rddreg [dreg:$0x3]  }
0x2e5: {  	s0 =	sadd.s32 @!p0 $0x100000, s0  }
0x2e6: {  	[sflag:s0] =	ssyncadd.tile.s32 @!p0 $0x1;
	_ =	shalt  }
.Lfunc_end2:
_tile_overlayer_lowered:
.L_overlay_start_2:
0x2e7: {  	(tag) =	ssettag $0x2  }
0x2e8: {  	s0 =	rddreg [dreg:$0x0];
	s2 =	stileid.u32  }
0x2e9: {  	s1 =	rddreg [dreg:$0x1];
	p0 =	sne.s32 s2, $0x0  }
0x2ea: {  	s3 =	rddreg [dreg:$0x2];
	[bflag:$0x3] =	sbarrier.arrive $0xFFFF;
	s2 =	simm.s32 @!p0 $0x1C0D  }
0x2eb: {  	[timem:s3], [sflag:s2] =	dma.local @!p0 [hbm:s0], s1  }
0x2ec: {  	s0 =	simm.s32 @!p0 $0xD  }
0x2ed: {  	_ =	swait.ge @!p0 [sflag:s0], s1  }
0x2ee: {  	s1 =	ssub.s32 @!p0 $0x0, s1;
	[sflag:s0] =	ssyncset.done @!p0 $0x0  }
0x2ef: {  	[sflag:s0] =	ssyncadd.s32 @!p0 s1  }
0x2f0: {  	[bflag:$0x3] =	sbarrier.arrive $0xFFFF  }
0x2f1: {  	_ =	shalt  }

</sc_bundles>
